<compile_context>
chip_gen: v7x
topology: tpu7x:2x2x1
jax: 0.10.2.dev20260603
libtpu: 0.0.44.dev20260713+nightly
codegen_flags: <defaults>
</compile_context>

<pallas_src>
import functools

import jax
import jax.numpy as jnp
from jax.experimental import pallas as pl
from jax.experimental.pallas import tpu as pltpu
from jax.experimental.pallas import tpu_sc as plsc

L = 2048
S = 2048
E = 1024
H = 16
KSEL = 32
DH = E // H
BL = 256


def _proj_kernel(x_ref, w_ref, b_ref, o_ref):
    res = jax.lax.dot_general(
        x_ref[...], w_ref[...], (((1,), (1,)), ((), ())),
        preferred_element_type=jnp.float32) + b_ref[0]
    o_ref[...] = res.reshape(res.shape[0], H, DH).transpose(1, 0, 2)


_SC_CH = 32


def _make_sc_count():
    info = plsc.get_sparse_core_info()
    nw = info.num_cores * info.num_subcores
    rows_w = L // nw
    mesh = plsc.VectorSubcoreMesh(core_axis_name="c", subcore_axis_name="s")

    @functools.partial(
        pl.kernel, mesh=mesh,
        out_type=jax.ShapeDtypeStruct((L * S,), jnp.float32),
        scratch_types=[
            pltpu.VMEM((1, KSEL, rows_w), jnp.int32),
            pltpu.VMEM((_SC_CH * S,), jnp.float32),
        ],
        compiler_params=pltpu.CompilerParams(needs_layout_passes=False),
    )
    def sc_count(idxt_hbm, zero_hbm, c_hbm, idxt_v, buf_v):
        wid = (jax.lax.axis_index("s") * info.num_cores
               + jax.lax.axis_index("c"))
        base = wid * rows_w
        pltpu.sync_copy(idxt_hbm.at[pl.ds(wid, 1)], idxt_v)
        lane = jax.lax.iota(jnp.int32, 16)
        ones = jnp.ones((16,), jnp.float32)
        for ch in range(rows_w // _SC_CH):
            pltpu.sync_copy(zero_hbm, buf_v)
            for g in range(_SC_CH // 16):
                rowflat = (lane + g * 16) * S
                for j in range(KSEL):
                    col = idxt_v[0, j, pl.ds(ch * _SC_CH + g * 16, 16)]
                    plsc.addupdate_scatter(buf_v, [rowflat + col], ones)
            pltpu.sync_copy(
                buf_v,
                c_hbm.at[pl.ds((base + ch * _SC_CH) * S, _SC_CH * S)])

    return sc_count


def _attn_kernel(q_ref, k_ref, v_ref, c_ref, idx_ref, wo_ref, bo_ref,
                 out_ref, aw_ref):
    h = pl.program_id(1)

    @pl.when(h == 0)
    def _init():
        out_ref[...] = jnp.broadcast_to(bo_ref[...], out_ref.shape)
        aw_ref[...] = jnp.zeros_like(aw_ref)

    s = jax.lax.dot_general(
        q_ref[0], k_ref[0], (((1,), (1,)), ((), ())),
        preferred_element_type=jnp.float32)
    e = jnp.exp(s)
    w = e * c_ref[...]
    zinv = 1.0 / jnp.sum(w, axis=1, keepdims=True)
    ctx = jax.lax.dot_general(
        w, v_ref[0], (((1,), (0,)), ((), ())),
        preferred_element_type=jnp.float32) * zinv
    out_ref[...] += jax.lax.dot_general(
        ctx, wo_ref[0], (((1,), (0,)), ((), ())),
        preferred_element_type=jnp.float32)
    idx = idx_ref[...]
    lan = jax.lax.rem(idx, 128)
    crd = jax.lax.div(idx, 128)
    acc = jnp.zeros((BL, KSEL), jnp.float32)
    for c in range(S // 128):
        g = jnp.take_along_axis(e[:, c * 128:(c + 1) * 128], lan, axis=1)
        acc = acc + jnp.where(crd == c, g, 0.0)
    aw_ref[...] += acc * (zinv * (1.0 / H))


def kernel(query, key, value, indices, in_proj_weight, in_proj_bias,
           out_proj_weight, out_proj_bias):
    n = query.shape[1]
    scaling = float(DH) ** -0.5

    x = jnp.concatenate([query.reshape(L, E), key.reshape(S, E),
                         value.reshape(S, E)], axis=0)
    w3 = jnp.concatenate([in_proj_weight[:E] * scaling,
                          in_proj_weight[E:]], axis=0)
    b3 = jnp.concatenate([in_proj_bias[:E] * scaling,
                          in_proj_bias[E:]]).reshape(3, 1, E)

    rows = x.shape[0]
    nb = rows // BL
    per_part = (rows // 3) // BL

    projh = pl.pallas_call(
        _proj_kernel,
        grid=(nb,),
        in_specs=[
            pl.BlockSpec((BL, E), lambda i: (i, 0)),
            pl.BlockSpec((E, E), lambda i: (i // per_part, 0)),
            pl.BlockSpec((1, 1, E), lambda i: (i // per_part, 0, 0)),
        ],
        out_specs=pl.BlockSpec((H, BL, DH), lambda i: (0, i, 0)),
        out_shape=jax.ShapeDtypeStruct((H, rows, DH), jnp.float32),
    )(x, w3, b3)

    info = plsc.get_sparse_core_info()
    nw = info.num_cores * info.num_subcores
    idx3 = indices.reshape(nw, L // nw, KSEL).transpose(0, 2, 1)
    counts = _make_sc_count()(
        idx3, jnp.zeros((_SC_CH * S,), jnp.float32)).reshape(L, S)

    wo3 = out_proj_weight.T.reshape(H, DH, E)

    attn_out, attn_weights = pl.pallas_call(
        _attn_kernel,
        grid=(L // BL, H),
        in_specs=[
            pl.BlockSpec((1, BL, DH), lambda i, h: (h, i, 0)),
            pl.BlockSpec((1, S, DH), lambda i, h: (h, L // S, 0)),
            pl.BlockSpec((1, S, DH), lambda i, h: (h, (L + S) // S, 0)),
            pl.BlockSpec((BL, S), lambda i, h: (i, 0)),
            pl.BlockSpec((BL, KSEL), lambda i, h: (i, 0)),
            pl.BlockSpec((1, DH, E), lambda i, h: (h, 0, 0)),
            pl.BlockSpec((1, E), lambda i, h: (0, 0)),
        ],
        out_specs=[
            pl.BlockSpec((BL, E), lambda i, h: (i, 0)),
            pl.BlockSpec((BL, KSEL), lambda i, h: (i, 0)),
        ],
        out_shape=[
            jax.ShapeDtypeStruct((L, E), jnp.float32),
            jax.ShapeDtypeStruct((L, KSEL), jnp.float32),
        ],
    )(projh, projh, projh, counts, indices, wo3,
      out_proj_bias.reshape(1, E))

    return attn_out.reshape(L, n, E), attn_weights.reshape(n, L, KSEL)

# --- scband reference (transcript-rebuilt; emitter-appended) ---
"""Pipeline reference for scband-sparse-multihead-attention-17506286699026 (READ-ONLY COPY).

The authoritative reference and input builder live on the scoring server;
editing this copy changes nothing except your own understanding.
"""

import jax, jax.numpy as jnp
import numpy as np

L = 2048
S = 2048
N = 1
E = 1024
H = 16
KSEL = 32


def setup_inputs(seed: int = 0) -> dict:
    key = jax.random.key(seed)
    k0, k1, k2, k3, k4, k5 = jax.random.split(key, 6)
    query = jax.random.normal(k0, (L, N, E), dtype=jnp.float32)
    key_t = jax.random.normal(k1, (S, N, E), dtype=jnp.float32)
    value = jax.random.normal(k2, (S, N, E), dtype=jnp.float32)
    indices = jax.random.randint(k3, (L, KSEL), 0, S, dtype=jnp.int32)
    in_proj_weight = jax.random.normal(k4, (3 * E, E), dtype=jnp.float32) * (1.0 / np.sqrt(E))
    in_proj_bias = jnp.zeros((3 * E,), dtype=jnp.float32)
    out_proj_weight = jax.random.normal(k5, (E, E), dtype=jnp.float32) * (1.0 / np.sqrt(E))
    out_proj_bias = jnp.zeros((E,), dtype=jnp.float32)
    return {
        "query": query,
        "key": key_t,
        "value": value,
        "indices": indices,
        "in_proj_weight": in_proj_weight,
        "in_proj_bias": in_proj_bias,
        "out_proj_weight": out_proj_weight,
        "out_proj_bias": out_proj_bias,
    }


def reference(query, key, value, indices, in_proj_weight, in_proj_bias, out_proj_weight, out_proj_bias):
    d_h = E // H
    scaling = float(d_h) ** -0.5
    w_q = in_proj_weight[:E]
    w_k = in_proj_weight[E:2 * E]
    w_v = in_proj_weight[2 * E:]
    b_q = in_proj_bias[:E]
    b_k = in_proj_bias[E:2 * E]
    b_v = in_proj_bias[2 * E:]
    q = (query @ w_q.T + b_q) * scaling              # (L, N, E)
    k = key @ w_k.T + b_k                            # (S, N, E)
    v = value @ w_v.T + b_v                          # (S, N, E)
    q = q.reshape(L, N * H, d_h).transpose(1, 0, 2)  # (NH, L, d_h)
    k = k.reshape(S, N * H, d_h).transpose(1, 0, 2)  # (NH, S, d_h)
    v = v.reshape(S, N * H, d_h).transpose(1, 0, 2)  # (NH, S, d_h)
    # sparse attention: each query position attends only to KSEL selected keys
    k_sel = jnp.take(k, indices, axis=1)             # (NH, L, KSEL, d_h)
    v_sel = jnp.take(v, indices, axis=1)             # (NH, L, KSEL, d_h)
    scores = jnp.einsum('bld,blkd->blk', q, k_sel)   # (NH, L, KSEL)
    attn = jax.nn.softmax(scores, axis=-1)
    ctx = jnp.einsum('blk,blkd->bld', attn, v_sel)   # (NH, L, d_h)
    ctx = ctx.transpose(1, 0, 2).reshape(L, N, E)
    attn_output = ctx @ out_proj_weight.T + out_proj_bias
    attn_weights = attn.reshape(N, H, L, KSEL).mean(axis=1)  # (N, L, KSEL)
    return attn_output, attn_weights

if __name__ == "__main__":
    import jax
    _d = setup_inputs()
    print(jax.jit(kernel)(*tuple(_d.values())))

</pallas_src>

<mosaic_0001>
#map = affine_map<(d0, d1) -> (0, 0, 0)>
#map1 = affine_map<(d0, d1) -> (0)>
module attributes {stable_mosaic.version = 14 : i64} {
  func.func @sc_count(%arg0: i32, %arg1: i32, %arg2: memref<32x32x64xi32, #tpu.memory_space<hbm>>, %arg3: memref<65536xf32, #tpu.memory_space<hbm>>, %arg4: memref<4194304xf32, #tpu.memory_space<hbm>>, %arg5: memref<1x32x64xi32, #tpu.memory_space<vmem>>, %arg6: memref<65536xf32, #tpu.memory_space<vmem>>) attributes {dimension_semantics = [#tpu.dimension_semantics<core_parallel>, #tpu.dimension_semantics<subcore_parallel>], iteration_bounds = array<i64: 2, 16>, scalar_prefetch = 0 : i64, scratch_operands = 2 : i64, tpu.core_type = #tpu.core_type<sc_vector_subcore>, window_params = [{transform_indices = #map}, {transform_indices = #map1}, {transform_indices = #map1}]} {
    %mul3A = arith.constant 2 : i32
    %mul3A_0 = arith.muli %arg1, %mul3A : i32
    %add3A = arith.addi %mul3A_0, %arg0 : i32
    %mul3A_1 = arith.constant 64 : i32
    %mul3A_2 = arith.muli %add3A, %mul3A_1 : i32
    "tpu.region"() ({
      %run_scoped3A = tpu.sem_alloc : memref<!tpu.dma_semaphore, #tpu.memory_space<semaphore_mem>>
      %dma_start3A = arith.constant 0 : i32
      %dma_start3A_931 = arith.constant 0 : i32
      %dma_start3A_932 = tpu.memref_slice %arg2[%add3A, %dma_start3A, %dma_start3A_931] : memref<32x32x64xi32, #tpu.memory_space<hbm>> -> memref<1x32x64xi32, #tpu.memory_space<hbm>>
      %dma_start3A_933 = arith.constant 0 : i32
      %dma_start3A_934 = arith.constant 0 : i32
      %dma_start3A_935 = tpu.memref_slice %arg2[%add3A, %dma_start3A_933, %dma_start3A_934] : memref<32x32x64xi32, #tpu.memory_space<hbm>> -> memref<1x32x64xi32, #tpu.memory_space<hbm>>
      tpu.enqueue_dma source(%dma_start3A_935 : memref<1x32x64xi32, #tpu.memory_space<hbm>>) target(%arg5 : memref<1x32x64xi32, #tpu.memory_space<vmem>>) target_semaphore(%run_scoped3A : memref<!tpu.dma_semaphore, #tpu.memory_space<semaphore_mem>>)
      %dma_wait3A = arith.constant 0 : i32
      %dma_wait3A_936 = arith.constant 0 : i32
      %dma_wait3A_937 = tpu.memref_slice %arg2[%add3A, %dma_wait3A, %dma_wait3A_936] : memref<32x32x64xi32, #tpu.memory_space<hbm>> -> memref<1x32x64xi32, #tpu.memory_space<hbm>>
      %dma_wait3A_938 = arith.constant 0 : i32
      %dma_wait3A_939 = arith.constant 0 : i32
      %dma_wait3A_940 = tpu.memref_slice %arg2[%add3A, %dma_wait3A_938, %dma_wait3A_939] : memref<32x32x64xi32, #tpu.memory_space<hbm>> -> memref<1x32x64xi32, #tpu.memory_space<hbm>>
      tpu.wait_dma2 semaphore(%run_scoped3A : memref<!tpu.dma_semaphore, #tpu.memory_space<semaphore_mem>>) src(%dma_wait3A_940 : memref<1x32x64xi32, #tpu.memory_space<hbm>>) dst(%arg5 : memref<1x32x64xi32, #tpu.memory_space<vmem>>)
      tpu.yield
    }) : () -> ()
    %iota3A = tpu.iota {dimensions = array<i32: 0>} : vector<16xi32>
    %broadcast_in_dim3A = arith.constant 1.000000e+00 : f32
    %broadcast_in_dim3A_3 = vector.broadcast %broadcast_in_dim3A : f32 to vector<16xf32>
    "tpu.region"() ({
      %run_scoped3A = tpu.sem_alloc : memref<!tpu.dma_semaphore, #tpu.memory_space<semaphore_mem>>
      tpu.enqueue_dma source(%arg3 : memref<65536xf32, #tpu.memory_space<hbm>>) target(%arg6 : memref<65536xf32, #tpu.memory_space<vmem>>) target_semaphore(%run_scoped3A : memref<!tpu.dma_semaphore, #tpu.memory_space<semaphore_mem>>)
      tpu.wait_dma2 semaphore(%run_scoped3A : memref<!tpu.dma_semaphore, #tpu.memory_space<semaphore_mem>>) src(%arg3 : memref<65536xf32, #tpu.memory_space<hbm>>) dst(%arg6 : memref<65536xf32, #tpu.memory_space<vmem>>)
      tpu.yield
    }) : () -> ()
    %add3A_4 = arith.constant 0 : i32
    %add3A_5 = vector.broadcast %add3A_4 : i32 to vector<16xi32>
    %add3A_6 = arith.addi %iota3A, %add3A_5 : vector<16xi32>
    %mul3A_7 = arith.constant 2048 : i32
    %mul3A_8 = vector.broadcast %mul3A_7 : i32 to vector<16xi32>
    %mul3A_9 = arith.muli %add3A_6, %mul3A_8 : vector<16xi32>
    %get3A = arith.constant 0 : i32
    %get3A_10 = arith.constant 0 : i32
    %get3A_11 = arith.index_cast %get3A : i32 to index
    %get3A_12 = arith.index_cast %get3A_10 : i32 to index
    %get3A_13 = arith.constant 0 : index
    %get3A_14 = tpu.vector_load %arg5[%get3A_11, %get3A_12, %get3A_13] {strides = array<i32>} : memref<1x32x64xi32, #tpu.memory_space<vmem>>, vector<16xi32>,
    %add3A_15 = arith.addi %mul3A_9, %get3A_14 : vector<16xi32>
    tpu.vector_store_idx %arg6[%add3A_15], %broadcast_in_dim3A_3 {add = true} : memref<65536xf32, #tpu.memory_space<vmem>>[vector<16xi32>], vector<16xf32>,
    %get3A_16 = arith.constant 0 : i32
    %get3A_17 = arith.constant 1 : i32
    %get3A_18 = arith.index_cast %get3A_16 : i32 to index
    %get3A_19 = arith.index_cast %get3A_17 : i32 to index
    %get3A_20 = arith.constant 0 : index
    %get3A_21 = tpu.vector_load %arg5[%get3A_18, %get3A_19, %get3A_20] {strides = array<i32>} : memref<1x32x64xi32, #tpu.memory_space<vmem>>, vector<16xi32>,
    %add3A_22 = arith.addi %mul3A_9, %get3A_21 : vector<16xi32>
    tpu.vector_store_idx %arg6[%add3A_22], %broadcast_in_dim3A_3 {add = true} : memref<65536xf32, #tpu.memory_space<vmem>>[vector<16xi32>], vector<16xf32>,
    %get3A_23 = arith.constant 0 : i32
    %get3A_24 = arith.constant 2 : i32
    %get3A_25 = arith.index_cast %get3A_23 : i32 to index
    %get3A_26 = arith.index_cast %get3A_24 : i32 to index
    %get3A_27 = arith.constant 0 : index
    %get3A_28 = tpu.vector_load %arg5[%get3A_25, %get3A_26, %get3A_27] {strides = array<i32>} : memref<1x32x64xi32, #tpu.memory_space<vmem>>, vector<16xi32>,
    %add3A_29 = arith.addi %mul3A_9, %get3A_28 : vector<16xi32>
    tpu.vector_store_idx %arg6[%add3A_29], %broadcast_in_dim3A_3 {add = true} : memref<65536xf32, #tpu.memory_space<vmem>>[vector<16xi32>], vector<16xf32>,
    %get3A_30 = arith.constant 0 : i32
    %get3A_31 = arith.constant 3 : i32
    %get3A_32 = arith.index_cast %get3A_30 : i32 to index
    %get3A_33 = arith.index_cast %get3A_31 : i32 to index
    %get3A_34 = arith.constant 0 : index
    %get3A_35 = tpu.vector_load %arg5[%get3A_32, %get3A_33, %get3A_34] {strides = array<i32>} : memref<1x32x64xi32, #tpu.memory_space<vmem>>, vector<16xi32>,
    %add3A_36 = arith.addi %mul3A_9, %get3A_35 : vector<16xi32>
    tpu.vector_store_idx %arg6[%add3A_36], %broadcast_in_dim3A_3 {add = true} : memref<65536xf32, #tpu.memory_space<vmem>>[vector<16xi32>], vector<16xf32>,
    %get3A_37 = arith.constant 0 : i32
    %get3A_38 = arith.constant 4 : i32
    %get3A_39 = arith.index_cast %get3A_37 : i32 to index
    %get3A_40 = arith.index_cast %get3A_38 : i32 to index
    %get3A_41 = arith.constant 0 : index
    %get3A_42 = tpu.vector_load %arg5[%get3A_39, %get3A_40, %get3A_41] {strides = array<i32>} : memref<1x32x64xi32, #tpu.memory_space<vmem>>, vector<16xi32>,
    %add3A_43 = arith.addi %mul3A_9, %get3A_42 : vector<16xi32>
    tpu.vector_store_idx %arg6[%add3A_43], %broadcast_in_dim3A_3 {add = true} : memref<65536xf32, #tpu.memory_space<vmem>>[vector<16xi32>], vector<16xf32>,
    %get3A_44 = arith.constant 0 : i32
    %get3A_45 = arith.constant 5 : i32
    %get3A_46 = arith.index_cast %get3A_44 : i32 to index
    %get3A_47 = arith.index_cast %get3A_45 : i32 to index
    %get3A_48 = arith.constant 0 : index
    %get3A_49 = tpu.vector_load %arg5[%get3A_46, %get3A_47, %get3A_48] {strides = array<i32>} : memref<1x32x64xi32, #tpu.memory_space<vmem>>, vector<16xi32>,
    %add3A_50 = arith.addi %mul3A_9, %get3A_49 : vector<16xi32>
    tpu.vector_store_idx %arg6[%add3A_50], %broadcast_in_dim3A_3 {add = true} : memref<65536xf32, #tpu.memory_space<vmem>>[vector<16xi32>], vector<16xf32>,
    %get3A_51 = arith.constant 0 : i32
    %get3A_52 = arith.constant 6 : i32
    %get3A_53 = arith.index_cast %get3A_51 : i32 to index
    %get3A_54 = arith.index_cast %get3A_52 : i32 to index
    %get3A_55 = arith.constant 0 : index
    %get3A_56 = tpu.vector_load %arg5[%get3A_53, %get3A_54, %get3A_55] {strides = array<i32>} : memref<1x32x64xi32, #tpu.memory_space<vmem>>, vector<16xi32>,
    %add3A_57 = arith.addi %mul3A_9, %get3A_56 : vector<16xi32>
    tpu.vector_store_idx %arg6[%add3A_57], %broadcast_in_dim3A_3 {add = true} : memref<65536xf32, #tpu.memory_space<vmem>>[vector<16xi32>], vector<16xf32>,
    %get3A_58 = arith.constant 0 : i32
    %get3A_59 = arith.constant 7 : i32
    %get3A_60 = arith.index_cast %get3A_58 : i32 to index
    %get3A_61 = arith.index_cast %get3A_59 : i32 to index
    %get3A_62 = arith.constant 0 : index
    %get3A_63 = tpu.vector_load %arg5[%get3A_60, %get3A_61, %get3A_62] {strides = array<i32>} : memref<1x32x64xi32, #tpu.memory_space<vmem>>, vector<16xi32>,
    %add3A_64 = arith.addi %mul3A_9, %get3A_63 : vector<16xi32>
    tpu.vector_store_idx %arg6[%add3A_64], %broadcast_in_dim3A_3 {add = true} : memref<65536xf32, #tpu.memory_space<vmem>>[vector<16xi32>], vector<16xf32>,
    %get3A_65 = arith.constant 0 : i32
    %get3A_66 = arith.constant 8 : i32
    %get3A_67 = arith.index_cast %get3A_65 : i32 to index
    %get3A_68 = arith.index_cast %get3A_66 : i32 to index
    %get3A_69 = arith.constant 0 : index
    %get3A_70 = tpu.vector_load %arg5[%get3A_67, %get3A_68, %get3A_69] {strides = array<i32>} : memref<1x32x64xi32, #tpu.memory_space<vmem>>, vector<16xi32>,
    %add3A_71 = arith.addi %mul3A_9, %get3A_70 : vector<16xi32>
    tpu.vector_store_idx %arg6[%add3A_71], %broadcast_in_dim3A_3 {add = true} : memref<65536xf32, #tpu.memory_space<vmem>>[vector<16xi32>], vector<16xf32>,
    %get3A_72 = arith.constant 0 : i32
    %get3A_73 = arith.constant 9 : i32
    %get3A_74 = arith.index_cast %get3A_72 : i32 to index
    %get3A_75 = arith.index_cast %get3A_73 : i32 to index
    %get3A_76 = arith.constant 0 : index
    %get3A_77 = tpu.vector_load %arg5[%get3A_74, %get3A_75, %get3A_76] {strides = array<i32>} : memref<1x32x64xi32, #tpu.memory_space<vmem>>, vector<16xi32>,
    %add3A_78 = arith.addi %mul3A_9, %get3A_77 : vector<16xi32>
    tpu.vector_store_idx %arg6[%add3A_78], %broadcast_in_dim3A_3 {add = true} : memref<65536xf32, #tpu.memory_space<vmem>>[vector<16xi32>], vector<16xf32>,
    %get3A_79 = arith.constant 0 : i32
    %get3A_80 = arith.constant 10 : i32
    %get3A_81 = arith.index_cast %get3A_79 : i32 to index
    %get3A_82 = arith.index_cast %get3A_80 : i32 to index
    %get3A_83 = arith.constant 0 : index
    %get3A_84 = tpu.vector_load %arg5[%get3A_81, %get3A_82, %get3A_83] {strides = array<i32>} : memref<1x32x64xi32, #tpu.memory_space<vmem>>, vector<16xi32>,
    %add3A_85 = arith.addi %mul3A_9, %get3A_84 : vector<16xi32>
    tpu.vector_store_idx %arg6[%add3A_85], %broadcast_in_dim3A_3 {add = true} : memref<65536xf32, #tpu.memory_space<vmem>>[vector<16xi32>], vector<16xf32>,
    %get3A_86 = arith.constant 0 : i32
    %get3A_87 = arith.constant 11 : i32
    %get3A_88 = arith.index_cast %get3A_86 : i32 to index
    %get3A_89 = arith.index_cast %get3A_87 : i32 to index
    %get3A_90 = arith.constant 0 : index
    %get3A_91 = tpu.vector_load %arg5[%get3A_88, %get3A_89, %get3A_90] {strides = array<i32>} : memref<1x32x64xi32, #tpu.memory_space<vmem>>, vector<16xi32>,
    %add3A_92 = arith.addi %mul3A_9, %get3A_91 : vector<16xi32>
    tpu.vector_store_idx %arg6[%add3A_92], %broadcast_in_dim3A_3 {add = true} : memref<65536xf32, #tpu.memory_space<vmem>>[vector<16xi32>], vector<16xf32>,
    %get3A_93 = arith.constant 0 : i32
    %get3A_94 = arith.constant 12 : i32
    %get3A_95 = arith.index_cast %get3A_93 : i32 to index
    %get3A_96 = arith.index_cast %get3A_94 : i32 to index
    %get3A_97 = arith.constant 0 : index
    %get3A_98 = tpu.vector_load %arg5[%get3A_95, %get3A_96, %get3A_97] {strides = array<i32>} : memref<1x32x64xi32, #tpu.memory_space<vmem>>, vector<16xi32>,
    %add3A_99 = arith.addi %mul3A_9, %get3A_98 : vector<16xi32>
    tpu.vector_store_idx %arg6[%add3A_99], %broadcast_in_dim3A_3 {add = true} : memref<65536xf32, #tpu.memory_space<vmem>>[vector<16xi32>], vector<16xf32>,
    %get3A_100 = arith.constant 0 : i32
    %get3A_101 = arith.constant 13 : i32
    %get3A_102 = arith.index_cast %get3A_100 : i32 to index
    %get3A_103 = arith.index_cast %get3A_101 : i32 to index
    %get3A_104 = arith.constant 0 : index
    %get3A_105 = tpu.vector_load %arg5[%get3A_102, %get3A_103, %get3A_104] {strides = array<i32>} : memref<1x32x64xi32, #tpu.memory_space<vmem>>, vector<16xi32>,
    %add3A_106 = arith.addi %mul3A_9, %get3A_105 : vector<16xi32>
    tpu.vector_store_idx %arg6[%add3A_106], %broadcast_in_dim3A_3 {add = true} : memref<65536xf32, #tpu.memory_space<vmem>>[vector<16xi32>], vector<16xf32>,
    %get3A_107 = arith.constant 0 : i32
    %get3A_108 = arith.constant 14 : i32
    %get3A_109 = arith.index_cast %get3A_107 : i32 to index
    %get3A_110 = arith.index_cast %get3A_108 : i32 to index
    %get3A_111 = arith.constant 0 : index
    %get3A_112 = tpu.vector_load %arg5[%get3A_109, %get3A_110, %get3A_111] {strides = array<i32>} : memref<1x32x64xi32, #tpu.memory_space<vmem>>, vector<16xi32>,
    %add3A_113 = arith.addi %mul3A_9, %get3A_112 : vector<16xi32>
    tpu.vector_store_idx %arg6[%add3A_113], %broadcast_in_dim3A_3 {add = true} : memref<65536xf32, #tpu.memory_space<vmem>>[vector<16xi32>], vector<16xf32>,
    %get3A_114 = arith.constant 0 : i32
    %get3A_115 = arith.constant 15 : i32
    %get3A_116 = arith.index_cast %get3A_114 : i32 to index
    %get3A_117 = arith.index_cast %get3A_115 : i32 to index
    %get3A_118 = arith.constant 0 : index
    %get3A_119 = tpu.vector_load %arg5[%get3A_116, %get3A_117, %get3A_118] {strides = array<i32>} : memref<1x32x64xi32, #tpu.memory_space<vmem>>, vector<16xi32>,
    %add3A_120 = arith.addi %mul3A_9, %get3A_119 : vector<16xi32>
    tpu.vector_store_idx %arg6[%add3A_120], %broadcast_in_dim3A_3 {add = true} : memref<65536xf32, #tpu.memory_space<vmem>>[vector<16xi32>], vector<16xf32>,
    %get3A_121 = arith.constant 0 : i32
    %get3A_122 = arith.constant 16 : i32
    %get3A_123 = arith.index_cast %get3A_121 : i32 to index
    %get3A_124 = arith.index_cast %get3A_122 : i32 to index
    %get3A_125 = arith.constant 0 : index
    %get3A_126 = tpu.vector_load %arg5[%get3A_123, %get3A_124, %get3A_125] {strides = array<i32>} : memref<1x32x64xi32, #tpu.memory_space<vmem>>, vector<16xi32>,
    %add3A_127 = arith.addi %mul3A_9, %get3A_126 : vector<16xi32>
    tpu.vector_store_idx %arg6[%add3A_127], %broadcast_in_dim3A_3 {add = true} : memref<65536xf32, #tpu.memory_space<vmem>>[vector<16xi32>], vector<16xf32>,
    %get3A_128 = arith.constant 0 : i32
    %get3A_129 = arith.constant 17 : i32
    %get3A_130 = arith.index_cast %get3A_128 : i32 to index
    %get3A_131 = arith.index_cast %get3A_129 : i32 to index
    %get3A_132 = arith.constant 0 : index
    %get3A_133 = tpu.vector_load %arg5[%get3A_130, %get3A_131, %get3A_132] {strides = array<i32>} : memref<1x32x64xi32, #tpu.memory_space<vmem>>, vector<16xi32>,
    %add3A_134 = arith.addi %mul3A_9, %get3A_133 : vector<16xi32>
    tpu.vector_store_idx %arg6[%add3A_134], %broadcast_in_dim3A_3 {add = true} : memref<65536xf32, #tpu.memory_space<vmem>>[vector<16xi32>], vector<16xf32>,
    %get3A_135 = arith.constant 0 : i32
    %get3A_136 = arith.constant 18 : i32
    %get3A_137 = arith.index_cast %get3A_135 : i32 to index
    %get3A_138 = arith.index_cast %get3A_136 : i32 to index
    %get3A_139 = arith.constant 0 : index
    %get3A_140 = tpu.vector_load %arg5[%get3A_137, %get3A_138, %get3A_139] {strides = array<i32>} : memref<1x32x64xi32, #tpu.memory_space<vmem>>, vector<16xi32>,
    %add3A_141 = arith.addi %mul3A_9, %get3A_140 : vector<16xi32>
    tpu.vector_store_idx %arg6[%add3A_141], %broadcast_in_dim3A_3 {add = true} : memref<65536xf32, #tpu.memory_space<vmem>>[vector<16xi32>], vector<16xf32>,
    %get3A_142 = arith.constant 0 : i32
    %get3A_143 = arith.constant 19 : i32
    %get3A_144 = arith.index_cast %get3A_142 : i32 to index
    %get3A_145 = arith.index_cast %get3A_143 : i32 to index
    %get3A_146 = arith.constant 0 : index
    %get3A_147 = tpu.vector_load %arg5[%get3A_144, %get3A_145, %get3A_146] {strides = array<i32>} : memref<1x32x64xi32, #tpu.memory_space<vmem>>, vector<16xi32>,
    %add3A_148 = arith.addi %mul3A_9, %get3A_147 : vector<16xi32>
    tpu.vector_store_idx %arg6[%add3A_148], %broadcast_in_dim3A_3 {add = true} : memref<65536xf32, #tpu.memory_space<vmem>>[vector<16xi32>], vector<16xf32>,
    %get3A_149 = arith.constant 0 : i32
    %get3A_150 = arith.constant 20 : i32
    %get3A_151 = arith.index_cast %get3A_149 : i32 to index
    %get3A_152 = arith.index_cast %get3A_150 : i32 to index
    %get3A_153 = arith.constant 0 : index
    %get3A_154 = tpu.vector_load %arg5[%get3A_151, %get3A_152, %get3A_153] {strides = array<i32>} : memref<1x32x64xi32, #tpu.memory_space<vmem>>, vector<16xi32>,
    %add3A_155 = arith.addi %mul3A_9, %get3A_154 : vector<16xi32>
    tpu.vector_store_idx %arg6[%add3A_155], %broadcast_in_dim3A_3 {add = true} : memref<65536xf32, #tpu.memory_space<vmem>>[vector<16xi32>], vector<16xf32>,
    %get3A_156 = arith.constant 0 : i32
    %get3A_157 = arith.constant 21 : i32
    %get3A_158 = arith.index_cast %get3A_156 : i32 to index
    %get3A_159 = arith.index_cast %get3A_157 : i32 to index
    %get3A_160 = arith.constant 0 : index
    %get3A_161 = tpu.vector_load %arg5[%get3A_158, %get3A_159, %get3A_160] {strides = array<i32>} : memref<1x32x64xi32, #tpu.memory_space<vmem>>, vector<16xi32>,
    %add3A_162 = arith.addi %mul3A_9, %get3A_161 : vector<16xi32>
    tpu.vector_store_idx %arg6[%add3A_162], %broadcast_in_dim3A_3 {add = true} : memref<65536xf32, #tpu.memory_space<vmem>>[vector<16xi32>], vector<16xf32>,
    %get3A_163 = arith.constant 0 : i32
    %get3A_164 = arith.constant 22 : i32
    %get3A_165 = arith.index_cast %get3A_163 : i32 to index
    %get3A_166 = arith.index_cast %get3A_164 : i32 to index
    %get3A_167 = arith.constant 0 : index
    %get3A_168 = tpu.vector_load %arg5[%get3A_165, %get3A_166, %get3A_167] {strides = array<i32>} : memref<1x32x64xi32, #tpu.memory_space<vmem>>, vector<16xi32>,
    %add3A_169 = arith.addi %mul3A_9, %get3A_168 : vector<16xi32>
    tpu.vector_store_idx %arg6[%add3A_169], %broadcast_in_dim3A_3 {add = true} : memref<65536xf32, #tpu.memory_space<vmem>>[vector<16xi32>], vector<16xf32>,
    %get3A_170 = arith.constant 0 : i32
    %get3A_171 = arith.constant 23 : i32
    %get3A_172 = arith.index_cast %get3A_170 : i32 to index
    %get3A_173 = arith.index_cast %get3A_171 : i32 to index
    %get3A_174 = arith.constant 0 : index
    %get3A_175 = tpu.vector_load %arg5[%get3A_172, %get3A_173, %get3A_174] {strides = array<i32>} : memref<1x32x64xi32, #tpu.memory_space<vmem>>, vector<16xi32>,
    %add3A_176 = arith.addi %mul3A_9, %get3A_175 : vector<16xi32>
    tpu.vector_store_idx %arg6[%add3A_176], %broadcast_in_dim3A_3 {add = true} : memref<65536xf32, #tpu.memory_space<vmem>>[vector<16xi32>], vector<16xf32>,
    %get3A_177 = arith.constant 0 : i32
    %get3A_178 = arith.constant 24 : i32
    %get3A_179 = arith.index_cast %get3A_177 : i32 to index
    %get3A_180 = arith.index_cast %get3A_178 : i32 to index
    %get3A_181 = arith.constant 0 : index
    %get3A_182 = tpu.vector_load %arg5[%get3A_179, %get3A_180, %get3A_181] {strides = array<i32>} : memref<1x32x64xi32, #tpu.memory_space<vmem>>, vector<16xi32>,
    %add3A_183 = arith.addi %mul3A_9, %get3A_182 : vector<16xi32>
    tpu.vector_store_idx %arg6[%add3A_183], %broadcast_in_dim3A_3 {add = true} : memref<65536xf32, #tpu.memory_space<vmem>>[vector<16xi32>], vector<16xf32>,
    %get3A_184 = arith.constant 0 : i32
    %get3A_185 = arith.constant 25 : i32
    %get3A_186 = arith.index_cast %get3A_184 : i32 to index
    %get3A_187 = arith.index_cast %get3A_185 : i32 to index
    %get3A_188 = arith.constant 0 : index
    %get3A_189 = tpu.vector_load %arg5[%get3A_186, %get3A_187, %get3A_188] {strides = array<i32>} : memref<1x32x64xi32, #tpu.memory_space<vmem>>, vector<16xi32>,
    %add3A_190 = arith.addi %mul3A_9, %get3A_189 : vector<16xi32>
    tpu.vector_store_idx %arg6[%add3A_190], %broadcast_in_dim3A_3 {add = true} : memref<65536xf32, #tpu.memory_space<vmem>>[vector<16xi32>], vector<16xf32>,
    %get3A_191 = arith.constant 0 : i32
    %get3A_192 = arith.constant 26 : i32
    %get3A_193 = arith.index_cast %get3A_191 : i32 to index
    %get3A_194 = arith.index_cast %get3A_192 : i32 to index
    %get3A_195 = arith.constant 0 : index
    %get3A_196 = tpu.vector_load %arg5[%get3A_193, %get3A_194, %get3A_195] {strides = array<i32>} : memref<1x32x64xi32, #tpu.memory_space<vmem>>, vector<16xi32>,
    %add3A_197 = arith.addi %mul3A_9, %get3A_196 : vector<16xi32>
    tpu.vector_store_idx %arg6[%add3A_197], %broadcast_in_dim3A_3 {add = true} : memref<65536xf32, #tpu.memory_space<vmem>>[vector<16xi32>], vector<16xf32>,
    %get3A_198 = arith.constant 0 : i32
    %get3A_199 = arith.constant 27 : i32
    %get3A_200 = arith.index_cast %get3A_198 : i32 to index
    %get3A_201 = arith.index_cast %get3A_199 : i32 to index
    %get3A_202 = arith.constant 0 : index
    %get3A_203 = tpu.vector_load %arg5[%get3A_200, %get3A_201, %get3A_202] {strides = array<i32>} : memref<1x32x64xi32, #tpu.memory_space<vmem>>, vector<16xi32>,
    %add3A_204 = arith.addi %mul3A_9, %get3A_203 : vector<16xi32>
    tpu.vector_store_idx %arg6[%add3A_204], %broadcast_in_dim3A_3 {add = true} : memref<65536xf32, #tpu.memory_space<vmem>>[vector<16xi32>], vector<16xf32>,
    %get3A_205 = arith.constant 0 : i32
    %get3A_206 = arith.constant 28 : i32
    %get3A_207 = arith.index_cast %get3A_205 : i32 to index
    %get3A_208 = arith.index_cast %get3A_206 : i32 to index
    %get3A_209 = arith.constant 0 : index
    %get3A_210 = tpu.vector_load %arg5[%get3A_207, %get3A_208, %get3A_209] {strides = array<i32>} : memref<1x32x64xi32, #tpu.memory_space<vmem>>, vector<16xi32>,
    %add3A_211 = arith.addi %mul3A_9, %get3A_210 : vector<16xi32>
    tpu.vector_store_idx %arg6[%add3A_211], %broadcast_in_dim3A_3 {add = true} : memref<65536xf32, #tpu.memory_space<vmem>>[vector<16xi32>], vector<16xf32>,
    %get3A_212 = arith.constant 0 : i32
    %get3A_213 = arith.constant 29 : i32
    %get3A_214 = arith.index_cast %get3A_212 : i32 to index
    %get3A_215 = arith.index_cast %get3A_213 : i32 to index
    %get3A_216 = arith.constant 0 : index
    %get3A_217 = tpu.vector_load %arg5[%get3A_214, %get3A_215, %get3A_216] {strides = array<i32>} : memref<1x32x64xi32, #tpu.memory_space<vmem>>, vector<16xi32>,
    %add3A_218 = arith.addi %mul3A_9, %get3A_217 : vector<16xi32>
    tpu.vector_store_idx %arg6[%add3A_218], %broadcast_in_dim3A_3 {add = true} : memref<65536xf32, #tpu.memory_space<vmem>>[vector<16xi32>], vector<16xf32>,
    %get3A_219 = arith.constant 0 : i32
    %get3A_220 = arith.constant 30 : i32
    %get3A_221 = arith.index_cast %get3A_219 : i32 to index
    %get3A_222 = arith.index_cast %get3A_220 : i32 to index
    %get3A_223 = arith.constant 0 : index
    %get3A_224 = tpu.vector_load %arg5[%get3A_221, %get3A_222, %get3A_223] {strides = array<i32>} : memref<1x32x64xi32, #tpu.memory_space<vmem>>, vector<16xi32>,
    %add3A_225 = arith.addi %mul3A_9, %get3A_224 : vector<16xi32>
    tpu.vector_store_idx %arg6[%add3A_225], %broadcast_in_dim3A_3 {add = true} : memref<65536xf32, #tpu.memory_space<vmem>>[vector<16xi32>], vector<16xf32>,
    %get3A_226 = arith.constant 0 : i32
    %get3A_227 = arith.constant 31 : i32
    %get3A_228 = arith.index_cast %get3A_226 : i32 to index
    %get3A_229 = arith.index_cast %get3A_227 : i32 to index
    %get3A_230 = arith.constant 0 : index
    %get3A_231 = tpu.vector_load %arg5[%get3A_228, %get3A_229, %get3A_230] {strides = array<i32>} : memref<1x32x64xi32, #tpu.memory_space<vmem>>, vector<16xi32>,
    %add3A_232 = arith.addi %mul3A_9, %get3A_231 : vector<16xi32>
    tpu.vector_store_idx %arg6[%add3A_232], %broadcast_in_dim3A_3 {add = true} : memref<65536xf32, #tpu.memory_space<vmem>>[vector<16xi32>], vector<16xf32>,
    %add3A_233 = arith.constant 16 : i32
    %add3A_234 = vector.broadcast %add3A_233 : i32 to vector<16xi32>
    %add3A_235 = arith.addi %iota3A, %add3A_234 : vector<16xi32>
    %mul3A_236 = arith.constant 2048 : i32
    %mul3A_237 = vector.broadcast %mul3A_236 : i32 to vector<16xi32>
    %mul3A_238 = arith.muli %add3A_235, %mul3A_237 : vector<16xi32>
    %get3A_239 = arith.constant 0 : i32
    %get3A_240 = arith.constant 0 : i32
    %get3A_241 = arith.index_cast %get3A_239 : i32 to index
    %get3A_242 = arith.index_cast %get3A_240 : i32 to index
    %get3A_243 = arith.constant 16 : index
    %get3A_244 = tpu.vector_load %arg5[%get3A_241, %get3A_242, %get3A_243] {strides = array<i32>} : memref<1x32x64xi32, #tpu.memory_space<vmem>>, vector<16xi32>,
    %add3A_245 = arith.addi %mul3A_238, %get3A_244 : vector<16xi32>
    tpu.vector_store_idx %arg6[%add3A_245], %broadcast_in_dim3A_3 {add = true} : memref<65536xf32, #tpu.memory_space<vmem>>[vector<16xi32>], vector<16xf32>,
    %get3A_246 = arith.constant 0 : i32
    %get3A_247 = arith.constant 1 : i32
    %get3A_248 = arith.index_cast %get3A_246 : i32 to index
    %get3A_249 = arith.index_cast %get3A_247 : i32 to index
    %get3A_250 = arith.constant 16 : index
    %get3A_251 = tpu.vector_load %arg5[%get3A_248, %get3A_249, %get3A_250] {strides = array<i32>} : memref<1x32x64xi32, #tpu.memory_space<vmem>>, vector<16xi32>,
    %add3A_252 = arith.addi %mul3A_238, %get3A_251 : vector<16xi32>
    tpu.vector_store_idx %arg6[%add3A_252], %broadcast_in_dim3A_3 {add = true} : memref<65536xf32, #tpu.memory_space<vmem>>[vector<16xi32>], vector<16xf32>,
    %get3A_253 = arith.constant 0 : i32
    %get3A_254 = arith.constant 2 : i32
    %get3A_255 = arith.index_cast %get3A_253 : i32 to index
    %get3A_256 = arith.index_cast %get3A_254 : i32 to index
    %get3A_257 = arith.constant 16 : index
    %get3A_258 = tpu.vector_load %arg5[%get3A_255, %get3A_256, %get3A_257] {strides = array<i32>} : memref<1x32x64xi32, #tpu.memory_space<vmem>>, vector<16xi32>,
    %add3A_259 = arith.addi %mul3A_238, %get3A_258 : vector<16xi32>
    tpu.vector_store_idx %arg6[%add3A_259], %broadcast_in_dim3A_3 {add = true} : memref<65536xf32, #tpu.memory_space<vmem>>[vector<16xi32>], vector<16xf32>,
    %get3A_260 = arith.constant 0 : i32
    %get3A_261 = arith.constant 3 : i32
    %get3A_262 = arith.index_cast %get3A_260 : i32 to index
    %get3A_263 = arith.index_cast %get3A_261 : i32 to index
    %get3A_264 = arith.constant 16 : index
    %get3A_265 = tpu.vector_load %arg5[%get3A_262, %get3A_263, %get3A_264] {strides = array<i32>} : memref<1x32x64xi32, #tpu.memory_space<vmem>>, vector<16xi32>,
    %add3A_266 = arith.addi %mul3A_238, %get3A_265 : vector<16xi32>
    tpu.vector_store_idx %arg6[%add3A_266], %broadcast_in_dim3A_3 {add = true} : memref<65536xf32, #tpu.memory_space<vmem>>[vector<16xi32>], vector<16xf32>,
    %get3A_267 = arith.constant 0 : i32
    %get3A_268 = arith.constant 4 : i32
    %get3A_269 = arith.index_cast %get3A_267 : i32 to index
    %get3A_270 = arith.index_cast %get3A_268 : i32 to index
    %get3A_271 = arith.constant 16 : index
    %get3A_272 = tpu.vector_load %arg5[%get3A_269, %get3A_270, %get3A_271] {strides = array<i32>} : memref<1x32x64xi32, #tpu.memory_space<vmem>>, vector<16xi32>,
    %add3A_273 = arith.addi %mul3A_238, %get3A_272 : vector<16xi32>
    tpu.vector_store_idx %arg6[%add3A_273], %broadcast_in_dim3A_3 {add = true} : memref<65536xf32, #tpu.memory_space<vmem>>[vector<16xi32>], vector<16xf32>,
    %get3A_274 = arith.constant 0 : i32
    %get3A_275 = arith.constant 5 : i32
    %get3A_276 = arith.index_cast %get3A_274 : i32 to index
    %get3A_277 = arith.index_cast %get3A_275 : i32 to index
    %get3A_278 = arith.constant 16 : index
    %get3A_279 = tpu.vector_load %arg5[%get3A_276, %get3A_277, %get3A_278] {strides = array<i32>} : memref<1x32x64xi32, #tpu.memory_space<vmem>>, vector<16xi32>,
    %add3A_280 = arith.addi %mul3A_238, %get3A_279 : vector<16xi32>
    tpu.vector_store_idx %arg6[%add3A_280], %broadcast_in_dim3A_3 {add = true} : memref<65536xf32, #tpu.memory_space<vmem>>[vector<16xi32>], vector<16xf32>,
    %get3A_281 = arith.constant 0 : i32
    %get3A_282 = arith.constant 6 : i32
    %get3A_283 = arith.index_cast %get3A_281 : i32 to index
    %get3A_284 = arith.index_cast %get3A_282 : i32 to index
    %get3A_285 = arith.constant 16 : index
    %get3A_286 = tpu.vector_load %arg5[%get3A_283, %get3A_284, %get3A_285] {strides = array<i32>} : memref<1x32x64xi32, #tpu.memory_space<vmem>>, vector<16xi32>,
    %add3A_287 = arith.addi %mul3A_238, %get3A_286 : vector<16xi32>
    tpu.vector_store_idx %arg6[%add3A_287], %broadcast_in_dim3A_3 {add = true} : memref<65536xf32, #tpu.memory_space<vmem>>[vector<16xi32>], vector<16xf32>,
    %get3A_288 = arith.constant 0 : i32
    %get3A_289 = arith.constant 7 : i32
    %get3A_290 = arith.index_cast %get3A_288 : i32 to index
    %get3A_291 = arith.index_cast %get3A_289 : i32 to index
    %get3A_292 = arith.constant 16 : index
    %get3A_293 = tpu.vector_load %arg5[%get3A_290, %get3A_291, %get3A_292] {strides = array<i32>} : memref<1x32x64xi32, #tpu.memory_space<vmem>>, vector<16xi32>,
    %add3A_294 = arith.addi %mul3A_238, %get3A_293 : vector<16xi32>
    tpu.vector_store_idx %arg6[%add3A_294], %broadcast_in_dim3A_3 {add = true} : memref<65536xf32, #tpu.memory_space<vmem>>[vector<16xi32>], vector<16xf32>,
    %get3A_295 = arith.constant 0 : i32
    %get3A_296 = arith.constant 8 : i32
    %get3A_297 = arith.index_cast %get3A_295 : i32 to index
    %get3A_298 = arith.index_cast %get3A_296 : i32 to index
    %get3A_299 = arith.constant 16 : index
    %get3A_300 = tpu.vector_load %arg5[%get3A_297, %get3A_298, %get3A_299] {strides = array<i32>} : memref<1x32x64xi32, #tpu.memory_space<vmem>>, vector<16xi32>,
    %add3A_301 = arith.addi %mul3A_238, %get3A_300 : vector<16xi32>
    tpu.vector_store_idx %arg6[%add3A_301], %broadcast_in_dim3A_3 {add = true} : memref<65536xf32, #tpu.memory_space<vmem>>[vector<16xi32>], vector<16xf32>,
    %get3A_302 = arith.constant 0 : i32
    %get3A_303 = arith.constant 9 : i32
    %get3A_304 = arith.index_cast %get3A_302 : i32 to index
    %get3A_305 = arith.index_cast %get3A_303 : i32 to index
    %get3A_306 = arith.constant 16 : index
    %get3A_307 = tpu.vector_load %arg5[%get3A_304, %get3A_305, %get3A_306] {strides = array<i32>} : memref<1x32x64xi32, #tpu.memory_space<vmem>>, vector<16xi32>,
    %add3A_308 = arith.addi %mul3A_238, %get3A_307 : vector<16xi32>
    tpu.vector_store_idx %arg6[%add3A_308], %broadcast_in_dim3A_3 {add = true} : memref<65536xf32, #tpu.memory_space<vmem>>[vector<16xi32>], vector<16xf32>,
    %get3A_309 = arith.constant 0 : i32
    %get3A_310 = arith.constant 10 : i32
    %get3A_311 = arith.index_cast %get3A_309 : i32 to index
    %get3A_312 = arith.index_cast %get3A_310 : i32 to index
    %get3A_313 = arith.constant 16 : index
    %get3A_314 = tpu.vector_load %arg5[%get3A_311, %get3A_312, %get3A_313] {strides = array<i32>} : memref<1x32x64xi32, #tpu.memory_space<vmem>>, vector<16xi32>,
    %add3A_315 = arith.addi %mul3A_238, %get3A_314 : vector<16xi32>
    tpu.vector_store_idx %arg6[%add3A_315], %broadcast_in_dim3A_3 {add = true} : memref<65536xf32, #tpu.memory_space<vmem>>[vector<16xi32>], vector<16xf32>,
    %get3A_316 = arith.constant 0 : i32
    %get3A_317 = arith.constant 11 : i32
    %get3A_318 = arith.index_cast %get3A_316 : i32 to index
    %get3A_319 = arith.index_cast %get3A_317 : i32 to index
    %get3A_320 = arith.constant 16 : index
    %get3A_321 = tpu.vector_load %arg5[%get3A_318, %get3A_319, %get3A_320] {strides = array<i32>} : memref<1x32x64xi32, #tpu.memory_space<vmem>>, vector<16xi32>,
    %add3A_322 = arith.addi %mul3A_238, %get3A_321 : vector<16xi32>
    tpu.vector_store_idx %arg6[%add3A_322], %broadcast_in_dim3A_3 {add = true} : memref<65536xf32, #tpu.memory_space<vmem>>[vector<16xi32>], vector<16xf32>,
    %get3A_323 = arith.constant 0 : i32
    %get3A_324 = arith.constant 12 : i32
    %get3A_325 = arith.index_cast %get3A_323 : i32 to index
    %get3A_326 = arith.index_cast %get3A_324 : i32 to index
    %get3A_327 = arith.constant 16 : index
    %get3A_328 = tpu.vector_load %arg5[%get3A_325, %get3A_326, %get3A_327] {strides = array<i32>} : memref<1x32x64xi32, #tpu.memory_space<vmem>>, vector<16xi32>,
    %add3A_329 = arith.addi %mul3A_238, %get3A_328 : vector<16xi32>
    tpu.vector_store_idx %arg6[%add3A_329], %broadcast_in_dim3A_3 {add = true} : memref<65536xf32, #tpu.memory_space<vmem>>[vector<16xi32>], vector<16xf32>,
    %get3A_330 = arith.constant 0 : i32
    %get3A_331 = arith.constant 13 : i32
    %get3A_332 = arith.index_cast %get3A_330 : i32 to index
    %get3A_333 = arith.index_cast %get3A_331 : i32 to index
    %get3A_334 = arith.constant 16 : index
    %get3A_335 = tpu.vector_load %arg5[%get3A_332, %get3A_333, %get3A_334] {strides = array<i32>} : memref<1x32x64xi32, #tpu.memory_space<vmem>>, vector<16xi32>,
    %add3A_336 = arith.addi %mul3A_238, %get3A_335 : vector<16xi32>
    tpu.vector_store_idx %arg6[%add3A_336], %broadcast_in_dim3A_3 {add = true} : memref<65536xf32, #tpu.memory_space<vmem>>[vector<16xi32>], vector<16xf32>,
    %get3A_337 = arith.constant 0 : i32
    %get3A_338 = arith.constant 14 : i32
    %get3A_339 = arith.index_cast %get3A_337 : i32 to index
    %get3A_340 = arith.index_cast %get3A_338 : i32 to index
    %get3A_341 = arith.constant 16 : index
    %get3A_342 = tpu.vector_load %arg5[%get3A_339, %get3A_340, %get3A_341] {strides = array<i32>} : memref<1x32x64xi32, #tpu.memory_space<vmem>>, vector<16xi32>,
    %add3A_343 = arith.addi %mul3A_238, %get3A_342 : vector<16xi32>
    tpu.vector_store_idx %arg6[%add3A_343], %broadcast_in_dim3A_3 {add = true} : memref<65536xf32, #tpu.memory_space<vmem>>[vector<16xi32>], vector<16xf32>,
    %get3A_344 = arith.constant 0 : i32
    %get3A_345 = arith.constant 15 : i32
    %get3A_346 = arith.index_cast %get3A_344 : i32 to index
    %get3A_347 = arith.index_cast %get3A_345 : i32 to index
    %get3A_348 = arith.constant 16 : index
    %get3A_349 = tpu.vector_load %arg5[%get3A_346, %get3A_347, %get3A_348] {strides = array<i32>} : memref<1x32x64xi32, #tpu.memory_space<vmem>>, vector<16xi32>,
    %add3A_350 = arith.addi %mul3A_238, %get3A_349 : vector<16xi32>
    tpu.vector_store_idx %arg6[%add3A_350], %broadcast_in_dim3A_3 {add = true} : memref<65536xf32, #tpu.memory_space<vmem>>[vector<16xi32>], vector<16xf32>,
    %get3A_351 = arith.constant 0 : i32
    %get3A_352 = arith.constant 16 : i32
    %get3A_353 = arith.index_cast %get3A_351 : i32 to index
    %get3A_354 = arith.index_cast %get3A_352 : i32 to index
    %get3A_355 = arith.constant 16 : index
    %get3A_356 = tpu.vector_load %arg5[%get3A_353, %get3A_354, %get3A_355] {strides = array<i32>} : memref<1x32x64xi32, #tpu.memory_space<vmem>>, vector<16xi32>,
    %add3A_357 = arith.addi %mul3A_238, %get3A_356 : vector<16xi32>
    tpu.vector_store_idx %arg6[%add3A_357], %broadcast_in_dim3A_3 {add = true} : memref<65536xf32, #tpu.memory_space<vmem>>[vector<16xi32>], vector<16xf32>,
    %get3A_358 = arith.constant 0 : i32
    %get3A_359 = arith.constant 17 : i32
    %get3A_360 = arith.index_cast %get3A_358 : i32 to index
    %get3A_361 = arith.index_cast %get3A_359 : i32 to index
    %get3A_362 = arith.constant 16 : index
    %get3A_363 = tpu.vector_load %arg5[%get3A_360, %get3A_361, %get3A_362] {strides = array<i32>} : memref<1x32x64xi32, #tpu.memory_space<vmem>>, vector<16xi32>,
    %add3A_364 = arith.addi %mul3A_238, %get3A_363 : vector<16xi32>
    tpu.vector_store_idx %arg6[%add3A_364], %broadcast_in_dim3A_3 {add = true} : memref<65536xf32, #tpu.memory_space<vmem>>[vector<16xi32>], vector<16xf32>,
    %get3A_365 = arith.constant 0 : i32
    %get3A_366 = arith.constant 18 : i32
    %get3A_367 = arith.index_cast %get3A_365 : i32 to index
    %get3A_368 = arith.index_cast %get3A_366 : i32 to index
    %get3A_369 = arith.constant 16 : index
    %get3A_370 = tpu.vector_load %arg5[%get3A_367, %get3A_368, %get3A_369] {strides = array<i32>} : memref<1x32x64xi32, #tpu.memory_space<vmem>>, vector<16xi32>,
    %add3A_371 = arith.addi %mul3A_238, %get3A_370 : vector<16xi32>
    tpu.vector_store_idx %arg6[%add3A_371], %broadcast_in_dim3A_3 {add = true} : memref<65536xf32, #tpu.memory_space<vmem>>[vector<16xi32>], vector<16xf32>,
    %get3A_372 = arith.constant 0 : i32
    %get3A_373 = arith.constant 19 : i32
    %get3A_374 = arith.index_cast %get3A_372 : i32 to index
    %get3A_375 = arith.index_cast %get3A_373 : i32 to index
    %get3A_376 = arith.constant 16 : index
    %get3A_377 = tpu.vector_load %arg5[%get3A_374, %get3A_375, %get3A_376] {strides = array<i32>} : memref<1x32x64xi32, #tpu.memory_space<vmem>>, vector<16xi32>,
    %add3A_378 = arith.addi %mul3A_238, %get3A_377 : vector<16xi32>
    tpu.vector_store_idx %arg6[%add3A_378], %broadcast_in_dim3A_3 {add = true} : memref<65536xf32, #tpu.memory_space<vmem>>[vector<16xi32>], vector<16xf32>,
    %get3A_379 = arith.constant 0 : i32
    %get3A_380 = arith.constant 20 : i32
    %get3A_381 = arith.index_cast %get3A_379 : i32 to index
    %get3A_382 = arith.index_cast %get3A_380 : i32 to index
    %get3A_383 = arith.constant 16 : index
    %get3A_384 = tpu.vector_load %arg5[%get3A_381, %get3A_382, %get3A_383] {strides = array<i32>} : memref<1x32x64xi32, #tpu.memory_space<vmem>>, vector<16xi32>,
    %add3A_385 = arith.addi %mul3A_238, %get3A_384 : vector<16xi32>
    tpu.vector_store_idx %arg6[%add3A_385], %broadcast_in_dim3A_3 {add = true} : memref<65536xf32, #tpu.memory_space<vmem>>[vector<16xi32>], vector<16xf32>,
    %get3A_386 = arith.constant 0 : i32
    %get3A_387 = arith.constant 21 : i32
    %get3A_388 = arith.index_cast %get3A_386 : i32 to index
    %get3A_389 = arith.index_cast %get3A_387 : i32 to index
    %get3A_390 = arith.constant 16 : index
    %get3A_391 = tpu.vector_load %arg5[%get3A_388, %get3A_389, %get3A_390] {strides = array<i32>} : memref<1x32x64xi32, #tpu.memory_space<vmem>>, vector<16xi32>,
    %add3A_392 = arith.addi %mul3A_238, %get3A_391 : vector<16xi32>
    tpu.vector_store_idx %arg6[%add3A_392], %broadcast_in_dim3A_3 {add = true} : memref<65536xf32, #tpu.memory_space<vmem>>[vector<16xi32>], vector<16xf32>,
    %get3A_393 = arith.constant 0 : i32
    %get3A_394 = arith.constant 22 : i32
    %get3A_395 = arith.index_cast %get3A_393 : i32 to index
    %get3A_396 = arith.index_cast %get3A_394 : i32 to index
    %get3A_397 = arith.constant 16 : index
    %get3A_398 = tpu.vector_load %arg5[%get3A_395, %get3A_396, %get3A_397] {strides = array<i32>} : memref<1x32x64xi32, #tpu.memory_space<vmem>>, vector<16xi32>,
    %add3A_399 = arith.addi %mul3A_238, %get3A_398 : vector<16xi32>
    tpu.vector_store_idx %arg6[%add3A_399], %broadcast_in_dim3A_3 {add = true} : memref<65536xf32, #tpu.memory_space<vmem>>[vector<16xi32>], vector<16xf32>,
    %get3A_400 = arith.constant 0 : i32
    %get3A_401 = arith.constant 23 : i32
    %get3A_402 = arith.index_cast %get3A_400 : i32 to index
    %get3A_403 = arith.index_cast %get3A_401 : i32 to index
    %get3A_404 = arith.constant 16 : index
    %get3A_405 = tpu.vector_load %arg5[%get3A_402, %get3A_403, %get3A_404] {strides = array<i32>} : memref<1x32x64xi32, #tpu.memory_space<vmem>>, vector<16xi32>,
    %add3A_406 = arith.addi %mul3A_238, %get3A_405 : vector<16xi32>
    tpu.vector_store_idx %arg6[%add3A_406], %broadcast_in_dim3A_3 {add = true} : memref<65536xf32, #tpu.memory_space<vmem>>[vector<16xi32>], vector<16xf32>,
    %get3A_407 = arith.constant 0 : i32
    %get3A_408 = arith.constant 24 : i32
    %get3A_409 = arith.index_cast %get3A_407 : i32 to index
    %get3A_410 = arith.index_cast %get3A_408 : i32 to index
    %get3A_411 = arith.constant 16 : index
    %get3A_412 = tpu.vector_load %arg5[%get3A_409, %get3A_410, %get3A_411] {strides = array<i32>} : memref<1x32x64xi32, #tpu.memory_space<vmem>>, vector<16xi32>,
    %add3A_413 = arith.addi %mul3A_238, %get3A_412 : vector<16xi32>
    tpu.vector_store_idx %arg6[%add3A_413], %broadcast_in_dim3A_3 {add = true} : memref<65536xf32, #tpu.memory_space<vmem>>[vector<16xi32>], vector<16xf32>,
    %get3A_414 = arith.constant 0 : i32
    %get3A_415 = arith.constant 25 : i32
    %get3A_416 = arith.index_cast %get3A_414 : i32 to index
    %get3A_417 = arith.index_cast %get3A_415 : i32 to index
    %get3A_418 = arith.constant 16 : index
    %get3A_419 = tpu.vector_load %arg5[%get3A_416, %get3A_417, %get3A_418] {strides = array<i32>} : memref<1x32x64xi32, #tpu.memory_space<vmem>>, vector<16xi32>,
    %add3A_420 = arith.addi %mul3A_238, %get3A_419 : vector<16xi32>
    tpu.vector_store_idx %arg6[%add3A_420], %broadcast_in_dim3A_3 {add = true} : memref<65536xf32, #tpu.memory_space<vmem>>[vector<16xi32>], vector<16xf32>,
    %get3A_421 = arith.constant 0 : i32
    %get3A_422 = arith.constant 26 : i32
    %get3A_423 = arith.index_cast %get3A_421 : i32 to index
    %get3A_424 = arith.index_cast %get3A_422 : i32 to index
    %get3A_425 = arith.constant 16 : index
    %get3A_426 = tpu.vector_load %arg5[%get3A_423, %get3A_424, %get3A_425] {strides = array<i32>} : memref<1x32x64xi32, #tpu.memory_space<vmem>>, vector<16xi32>,
    %add3A_427 = arith.addi %mul3A_238, %get3A_426 : vector<16xi32>
    tpu.vector_store_idx %arg6[%add3A_427], %broadcast_in_dim3A_3 {add = true} : memref<65536xf32, #tpu.memory_space<vmem>>[vector<16xi32>], vector<16xf32>,
    %get3A_428 = arith.constant 0 : i32
    %get3A_429 = arith.constant 27 : i32
    %get3A_430 = arith.index_cast %get3A_428 : i32 to index
    %get3A_431 = arith.index_cast %get3A_429 : i32 to index
    %get3A_432 = arith.constant 16 : index
    %get3A_433 = tpu.vector_load %arg5[%get3A_430, %get3A_431, %get3A_432] {strides = array<i32>} : memref<1x32x64xi32, #tpu.memory_space<vmem>>, vector<16xi32>,
    %add3A_434 = arith.addi %mul3A_238, %get3A_433 : vector<16xi32>
    tpu.vector_store_idx %arg6[%add3A_434], %broadcast_in_dim3A_3 {add = true} : memref<65536xf32, #tpu.memory_space<vmem>>[vector<16xi32>], vector<16xf32>,
    %get3A_435 = arith.constant 0 : i32
    %get3A_436 = arith.constant 28 : i32
    %get3A_437 = arith.index_cast %get3A_435 : i32 to index
    %get3A_438 = arith.index_cast %get3A_436 : i32 to index
    %get3A_439 = arith.constant 16 : index
    %get3A_440 = tpu.vector_load %arg5[%get3A_437, %get3A_438, %get3A_439] {strides = array<i32>} : memref<1x32x64xi32, #tpu.memory_space<vmem>>, vector<16xi32>,
    %add3A_441 = arith.addi %mul3A_238, %get3A_440 : vector<16xi32>
    tpu.vector_store_idx %arg6[%add3A_441], %broadcast_in_dim3A_3 {add = true} : memref<65536xf32, #tpu.memory_space<vmem>>[vector<16xi32>], vector<16xf32>,
    %get3A_442 = arith.constant 0 : i32
    %get3A_443 = arith.constant 29 : i32
    %get3A_444 = arith.index_cast %get3A_442 : i32 to index
    %get3A_445 = arith.index_cast %get3A_443 : i32 to index
    %get3A_446 = arith.constant 16 : index
    %get3A_447 = tpu.vector_load %arg5[%get3A_444, %get3A_445, %get3A_446] {strides = array<i32>} : memref<1x32x64xi32, #tpu.memory_space<vmem>>, vector<16xi32>,
    %add3A_448 = arith.addi %mul3A_238, %get3A_447 : vector<16xi32>
    tpu.vector_store_idx %arg6[%add3A_448], %broadcast_in_dim3A_3 {add = true} : memref<65536xf32, #tpu.memory_space<vmem>>[vector<16xi32>], vector<16xf32>,
    %get3A_449 = arith.constant 0 : i32
    %get3A_450 = arith.constant 30 : i32
    %get3A_451 = arith.index_cast %get3A_449 : i32 to index
    %get3A_452 = arith.index_cast %get3A_450 : i32 to index
    %get3A_453 = arith.constant 16 : index
    %get3A_454 = tpu.vector_load %arg5[%get3A_451, %get3A_452, %get3A_453] {strides = array<i32>} : memref<1x32x64xi32, #tpu.memory_space<vmem>>, vector<16xi32>,
    %add3A_455 = arith.addi %mul3A_238, %get3A_454 : vector<16xi32>
    tpu.vector_store_idx %arg6[%add3A_455], %broadcast_in_dim3A_3 {add = true} : memref<65536xf32, #tpu.memory_space<vmem>>[vector<16xi32>], vector<16xf32>,
    %get3A_456 = arith.constant 0 : i32
    %get3A_457 = arith.constant 31 : i32
    %get3A_458 = arith.index_cast %get3A_456 : i32 to index
    %get3A_459 = arith.index_cast %get3A_457 : i32 to index
    %get3A_460 = arith.constant 16 : index
    %get3A_461 = tpu.vector_load %arg5[%get3A_458, %get3A_459, %get3A_460] {strides = array<i32>} : memref<1x32x64xi32, #tpu.memory_space<vmem>>, vector<16xi32>,
    %add3A_462 = arith.addi %mul3A_238, %get3A_461 : vector<16xi32>
    tpu.vector_store_idx %arg6[%add3A_462], %broadcast_in_dim3A_3 {add = true} : memref<65536xf32, #tpu.memory_space<vmem>>[vector<16xi32>], vector<16xf32>,
    %add3A_463 = arith.constant 0 : i32
    %add3A_464 = arith.addi %mul3A_2, %add3A_463 : i32
    %mul3A_465 = arith.constant 2048 : i32
    %mul3A_466 = arith.muli %add3A_464, %mul3A_465 : i32
    "tpu.region"() ({
      %run_scoped3A = tpu.sem_alloc : memref<!tpu.dma_semaphore, #tpu.memory_space<semaphore_mem>>
      %dma_start3A = tpu.memref_slice %arg4[%mul3A_466] : memref<4194304xf32, #tpu.memory_space<hbm>> -> memref<65536xf32, #tpu.memory_space<hbm>>
      %dma_start3A_931 = tpu.memref_slice %arg4[%mul3A_466] : memref<4194304xf32, #tpu.memory_space<hbm>> -> memref<65536xf32, #tpu.memory_space<hbm>>
      tpu.enqueue_dma source(%arg6 : memref<65536xf32, #tpu.memory_space<vmem>>) target(%dma_start3A_931 : memref<65536xf32, #tpu.memory_space<hbm>>) target_semaphore(%run_scoped3A : memref<!tpu.dma_semaphore, #tpu.memory_space<semaphore_mem>>)
      %dma_wait3A = tpu.memref_slice %arg4[%mul3A_466] : memref<4194304xf32, #tpu.memory_space<hbm>> -> memref<65536xf32, #tpu.memory_space<hbm>>
      %dma_wait3A_932 = tpu.memref_slice %arg4[%mul3A_466] : memref<4194304xf32, #tpu.memory_space<hbm>> -> memref<65536xf32, #tpu.memory_space<hbm>>
      tpu.wait_dma2 semaphore(%run_scoped3A : memref<!tpu.dma_semaphore, #tpu.memory_space<semaphore_mem>>) src(%arg6 : memref<65536xf32, #tpu.memory_space<vmem>>) dst(%dma_wait3A_932 : memref<65536xf32, #tpu.memory_space<hbm>>)
      tpu.yield
    }) : () -> ()
    "tpu.region"() ({
      %run_scoped3A = tpu.sem_alloc : memref<!tpu.dma_semaphore, #tpu.memory_space<semaphore_mem>>
      tpu.enqueue_dma source(%arg3 : memref<65536xf32, #tpu.memory_space<hbm>>) target(%arg6 : memref<65536xf32, #tpu.memory_space<vmem>>) target_semaphore(%run_scoped3A : memref<!tpu.dma_semaphore, #tpu.memory_space<semaphore_mem>>)
      tpu.wait_dma2 semaphore(%run_scoped3A : memref<!tpu.dma_semaphore, #tpu.memory_space<semaphore_mem>>) src(%arg3 : memref<65536xf32, #tpu.memory_space<hbm>>) dst(%arg6 : memref<65536xf32, #tpu.memory_space<vmem>>)
      tpu.yield
    }) : () -> ()
    %add3A_467 = arith.constant 0 : i32
    %add3A_468 = vector.broadcast %add3A_467 : i32 to vector<16xi32>
    %add3A_469 = arith.addi %iota3A, %add3A_468 : vector<16xi32>
    %mul3A_470 = arith.constant 2048 : i32
    %mul3A_471 = vector.broadcast %mul3A_470 : i32 to vector<16xi32>
    %mul3A_472 = arith.muli %add3A_469, %mul3A_471 : vector<16xi32>
    %get3A_473 = arith.constant 0 : i32
    %get3A_474 = arith.constant 0 : i32
    %get3A_475 = arith.index_cast %get3A_473 : i32 to index
    %get3A_476 = arith.index_cast %get3A_474 : i32 to index
    %get3A_477 = arith.constant 32 : index
    %get3A_478 = tpu.vector_load %arg5[%get3A_475, %get3A_476, %get3A_477] {strides = array<i32>} : memref<1x32x64xi32, #tpu.memory_space<vmem>>, vector<16xi32>,
    %add3A_479 = arith.addi %mul3A_472, %get3A_478 : vector<16xi32>
    tpu.vector_store_idx %arg6[%add3A_479], %broadcast_in_dim3A_3 {add = true} : memref<65536xf32, #tpu.memory_space<vmem>>[vector<16xi32>], vector<16xf32>,
    %get3A_480 = arith.constant 0 : i32
    %get3A_481 = arith.constant 1 : i32
    %get3A_482 = arith.index_cast %get3A_480 : i32 to index
    %get3A_483 = arith.index_cast %get3A_481 : i32 to index
    %get3A_484 = arith.constant 32 : index
    %get3A_485 = tpu.vector_load %arg5[%get3A_482, %get3A_483, %get3A_484] {strides = array<i32>} : memref<1x32x64xi32, #tpu.memory_space<vmem>>, vector<16xi32>,
    %add3A_486 = arith.addi %mul3A_472, %get3A_485 : vector<16xi32>
    tpu.vector_store_idx %arg6[%add3A_486], %broadcast_in_dim3A_3 {add = true} : memref<65536xf32, #tpu.memory_space<vmem>>[vector<16xi32>], vector<16xf32>,
    %get3A_487 = arith.constant 0 : i32
    %get3A_488 = arith.constant 2 : i32
    %get3A_489 = arith.index_cast %get3A_487 : i32 to index
    %get3A_490 = arith.index_cast %get3A_488 : i32 to index
    %get3A_491 = arith.constant 32 : index
    %get3A_492 = tpu.vector_load %arg5[%get3A_489, %get3A_490, %get3A_491] {strides = array<i32>} : memref<1x32x64xi32, #tpu.memory_space<vmem>>, vector<16xi32>,
    %add3A_493 = arith.addi %mul3A_472, %get3A_492 : vector<16xi32>
    tpu.vector_store_idx %arg6[%add3A_493], %broadcast_in_dim3A_3 {add = true} : memref<65536xf32, #tpu.memory_space<vmem>>[vector<16xi32>], vector<16xf32>,
    %get3A_494 = arith.constant 0 : i32
    %get3A_495 = arith.constant 3 : i32
    %get3A_496 = arith.index_cast %get3A_494 : i32 to index
    %get3A_497 = arith.index_cast %get3A_495 : i32 to index
    %get3A_498 = arith.constant 32 : index
    %get3A_499 = tpu.vector_load %arg5[%get3A_496, %get3A_497, %get3A_498] {strides = array<i32>} : memref<1x32x64xi32, #tpu.memory_space<vmem>>, vector<16xi32>,
    %add3A_500 = arith.addi %mul3A_472, %get3A_499 : vector<16xi32>
    tpu.vector_store_idx %arg6[%add3A_500], %broadcast_in_dim3A_3 {add = true} : memref<65536xf32, #tpu.memory_space<vmem>>[vector<16xi32>], vector<16xf32>,
    %get3A_501 = arith.constant 0 : i32
    %get3A_502 = arith.constant 4 : i32
    %get3A_503 = arith.index_cast %get3A_501 : i32 to index
    %get3A_504 = arith.index_cast %get3A_502 : i32 to index
    %get3A_505 = arith.constant 32 : index
    %get3A_506 = tpu.vector_load %arg5[%get3A_503, %get3A_504, %get3A_505] {strides = array<i32>} : memref<1x32x64xi32, #tpu.memory_space<vmem>>, vector<16xi32>,
    %add3A_507 = arith.addi %mul3A_472, %get3A_506 : vector<16xi32>
    tpu.vector_store_idx %arg6[%add3A_507], %broadcast_in_dim3A_3 {add = true} : memref<65536xf32, #tpu.memory_space<vmem>>[vector<16xi32>], vector<16xf32>,
    %get3A_508 = arith.constant 0 : i32
    %get3A_509 = arith.constant 5 : i32
    %get3A_510 = arith.index_cast %get3A_508 : i32 to index
    %get3A_511 = arith.index_cast %get3A_509 : i32 to index
    %get3A_512 = arith.constant 32 : index
    %get3A_513 = tpu.vector_load %arg5[%get3A_510, %get3A_511, %get3A_512] {strides = array<i32>} : memref<1x32x64xi32, #tpu.memory_space<vmem>>, vector<16xi32>,
    %add3A_514 = arith.addi %mul3A_472, %get3A_513 : vector<16xi32>
    tpu.vector_store_idx %arg6[%add3A_514], %broadcast_in_dim3A_3 {add = true} : memref<65536xf32, #tpu.memory_space<vmem>>[vector<16xi32>], vector<16xf32>,
    %get3A_515 = arith.constant 0 : i32
    %get3A_516 = arith.constant 6 : i32
    %get3A_517 = arith.index_cast %get3A_515 : i32 to index
    %get3A_518 = arith.index_cast %get3A_516 : i32 to index
    %get3A_519 = arith.constant 32 : index
    %get3A_520 = tpu.vector_load %arg5[%get3A_517, %get3A_518, %get3A_519] {strides = array<i32>} : memref<1x32x64xi32, #tpu.memory_space<vmem>>, vector<16xi32>,
    %add3A_521 = arith.addi %mul3A_472, %get3A_520 : vector<16xi32>
    tpu.vector_store_idx %arg6[%add3A_521], %broadcast_in_dim3A_3 {add = true} : memref<65536xf32, #tpu.memory_space<vmem>>[vector<16xi32>], vector<16xf32>,
    %get3A_522 = arith.constant 0 : i32
    %get3A_523 = arith.constant 7 : i32
    %get3A_524 = arith.index_cast %get3A_522 : i32 to index
    %get3A_525 = arith.index_cast %get3A_523 : i32 to index
    %get3A_526 = arith.constant 32 : index
    %get3A_527 = tpu.vector_load %arg5[%get3A_524, %get3A_525, %get3A_526] {strides = array<i32>} : memref<1x32x64xi32, #tpu.memory_space<vmem>>, vector<16xi32>,
    %add3A_528 = arith.addi %mul3A_472, %get3A_527 : vector<16xi32>
    tpu.vector_store_idx %arg6[%add3A_528], %broadcast_in_dim3A_3 {add = true} : memref<65536xf32, #tpu.memory_space<vmem>>[vector<16xi32>], vector<16xf32>,
    %get3A_529 = arith.constant 0 : i32
    %get3A_530 = arith.constant 8 : i32
    %get3A_531 = arith.index_cast %get3A_529 : i32 to index
    %get3A_532 = arith.index_cast %get3A_530 : i32 to index
    %get3A_533 = arith.constant 32 : index
    %get3A_534 = tpu.vector_load %arg5[%get3A_531, %get3A_532, %get3A_533] {strides = array<i32>} : memref<1x32x64xi32, #tpu.memory_space<vmem>>, vector<16xi32>,
    %add3A_535 = arith.addi %mul3A_472, %get3A_534 : vector<16xi32>
    tpu.vector_store_idx %arg6[%add3A_535], %broadcast_in_dim3A_3 {add = true} : memref<65536xf32, #tpu.memory_space<vmem>>[vector<16xi32>], vector<16xf32>,
    %get3A_536 = arith.constant 0 : i32
    %get3A_537 = arith.constant 9 : i32
    %get3A_538 = arith.index_cast %get3A_536 : i32 to index
    %get3A_539 = arith.index_cast %get3A_537 : i32 to index
    %get3A_540 = arith.constant 32 : index
    %get3A_541 = tpu.vector_load %arg5[%get3A_538, %get3A_539, %get3A_540] {strides = array<i32>} : memref<1x32x64xi32, #tpu.memory_space<vmem>>, vector<16xi32>,
    %add3A_542 = arith.addi %mul3A_472, %get3A_541 : vector<16xi32>
    tpu.vector_store_idx %arg6[%add3A_542], %broadcast_in_dim3A_3 {add = true} : memref<65536xf32, #tpu.memory_space<vmem>>[vector<16xi32>], vector<16xf32>,
    %get3A_543 = arith.constant 0 : i32
    %get3A_544 = arith.constant 10 : i32
    %get3A_545 = arith.index_cast %get3A_543 : i32 to index
    %get3A_546 = arith.index_cast %get3A_544 : i32 to index
    %get3A_547 = arith.constant 32 : index
    %get3A_548 = tpu.vector_load %arg5[%get3A_545, %get3A_546, %get3A_547] {strides = array<i32>} : memref<1x32x64xi32, #tpu.memory_space<vmem>>, vector<16xi32>,
    %add3A_549 = arith.addi %mul3A_472, %get3A_548 : vector<16xi32>
    tpu.vector_store_idx %arg6[%add3A_549], %broadcast_in_dim3A_3 {add = true} : memref<65536xf32, #tpu.memory_space<vmem>>[vector<16xi32>], vector<16xf32>,
    %get3A_550 = arith.constant 0 : i32
    %get3A_551 = arith.constant 11 : i32
    %get3A_552 = arith.index_cast %get3A_550 : i32 to index
    %get3A_553 = arith.index_cast %get3A_551 : i32 to index
    %get3A_554 = arith.constant 32 : index
    %get3A_555 = tpu.vector_load %arg5[%get3A_552, %get3A_553, %get3A_554] {strides = array<i32>} : memref<1x32x64xi32, #tpu.memory_space<vmem>>, vector<16xi32>,
    %add3A_556 = arith.addi %mul3A_472, %get3A_555 : vector<16xi32>
    tpu.vector_store_idx %arg6[%add3A_556], %broadcast_in_dim3A_3 {add = true} : memref<65536xf32, #tpu.memory_space<vmem>>[vector<16xi32>], vector<16xf32>,
    %get3A_557 = arith.constant 0 : i32
    %get3A_558 = arith.constant 12 : i32
    %get3A_559 = arith.index_cast %get3A_557 : i32 to index
    %get3A_560 = arith.index_cast %get3A_558 : i32 to index
    %get3A_561 = arith.constant 32 : index
    %get3A_562 = tpu.vector_load %arg5[%get3A_559, %get3A_560, %get3A_561] {strides = array<i32>} : memref<1x32x64xi32, #tpu.memory_space<vmem>>, vector<16xi32>,
    %add3A_563 = arith.addi %mul3A_472, %get3A_562 : vector<16xi32>
    tpu.vector_store_idx %arg6[%add3A_563], %broadcast_in_dim3A_3 {add = true} : memref<65536xf32, #tpu.memory_space<vmem>>[vector<16xi32>], vector<16xf32>,
    %get3A_564 = arith.constant 0 : i32
    %get3A_565 = arith.constant 13 : i32
    %get3A_566 = arith.index_cast %get3A_564 : i32 to index
    %get3A_567 = arith.index_cast %get3A_565 : i32 to index
    %get3A_568 = arith.constant 32 : index
    %get3A_569 = tpu.vector_load %arg5[%get3A_566, %get3A_567, %get3A_568] {strides = array<i32>} : memref<1x32x64xi32, #tpu.memory_space<vmem>>, vector<16xi32>,
    %add3A_570 = arith.addi %mul3A_472, %get3A_569 : vector<16xi32>
    tpu.vector_store_idx %arg6[%add3A_570], %broadcast_in_dim3A_3 {add = true} : memref<65536xf32, #tpu.memory_space<vmem>>[vector<16xi32>], vector<16xf32>,
    %get3A_571 = arith.constant 0 : i32
    %get3A_572 = arith.constant 14 : i32
    %get3A_573 = arith.index_cast %get3A_571 : i32 to index
    %get3A_574 = arith.index_cast %get3A_572 : i32 to index
    %get3A_575 = arith.constant 32 : index
    %get3A_576 = tpu.vector_load %arg5[%get3A_573, %get3A_574, %get3A_575] {strides = array<i32>} : memref<1x32x64xi32, #tpu.memory_space<vmem>>, vector<16xi32>,
    %add3A_577 = arith.addi %mul3A_472, %get3A_576 : vector<16xi32>
    tpu.vector_store_idx %arg6[%add3A_577], %broadcast_in_dim3A_3 {add = true} : memref<65536xf32, #tpu.memory_space<vmem>>[vector<16xi32>], vector<16xf32>,
    %get3A_578 = arith.constant 0 : i32
    %get3A_579 = arith.constant 15 : i32
    %get3A_580 = arith.index_cast %get3A_578 : i32 to index
    %get3A_581 = arith.index_cast %get3A_579 : i32 to index
    %get3A_582 = arith.constant 32 : index
    %get3A_583 = tpu.vector_load %arg5[%get3A_580, %get3A_581, %get3A_582] {strides = array<i32>} : memref<1x32x64xi32, #tpu.memory_space<vmem>>, vector<16xi32>,
    %add3A_584 = arith.addi %mul3A_472, %get3A_583 : vector<16xi32>
    tpu.vector_store_idx %arg6[%add3A_584], %broadcast_in_dim3A_3 {add = true} : memref<65536xf32, #tpu.memory_space<vmem>>[vector<16xi32>], vector<16xf32>,
    %get3A_585 = arith.constant 0 : i32
    %get3A_586 = arith.constant 16 : i32
    %get3A_587 = arith.index_cast %get3A_585 : i32 to index
    %get3A_588 = arith.index_cast %get3A_586 : i32 to index
    %get3A_589 = arith.constant 32 : index
    %get3A_590 = tpu.vector_load %arg5[%get3A_587, %get3A_588, %get3A_589] {strides = array<i32>} : memref<1x32x64xi32, #tpu.memory_space<vmem>>, vector<16xi32>,
    %add3A_591 = arith.addi %mul3A_472, %get3A_590 : vector<16xi32>
    tpu.vector_store_idx %arg6[%add3A_591], %broadcast_in_dim3A_3 {add = true} : memref<65536xf32, #tpu.memory_space<vmem>>[vector<16xi32>], vector<16xf32>,
    %get3A_592 = arith.constant 0 : i32
    %get3A_593 = arith.constant 17 : i32
    %get3A_594 = arith.index_cast %get3A_592 : i32 to index
    %get3A_595 = arith.index_cast %get3A_593 : i32 to index
    %get3A_596 = arith.constant 32 : index
    %get3A_597 = tpu.vector_load %arg5[%get3A_594, %get3A_595, %get3A_596] {strides = array<i32>} : memref<1x32x64xi32, #tpu.memory_space<vmem>>, vector<16xi32>,
    %add3A_598 = arith.addi %mul3A_472, %get3A_597 : vector<16xi32>
    tpu.vector_store_idx %arg6[%add3A_598], %broadcast_in_dim3A_3 {add = true} : memref<65536xf32, #tpu.memory_space<vmem>>[vector<16xi32>], vector<16xf32>,
    %get3A_599 = arith.constant 0 : i32
    %get3A_600 = arith.constant 18 : i32
    %get3A_601 = arith.index_cast %get3A_599 : i32 to index
    %get3A_602 = arith.index_cast %get3A_600 : i32 to index
    %get3A_603 = arith.constant 32 : index
    %get3A_604 = tpu.vector_load %arg5[%get3A_601, %get3A_602, %get3A_603] {strides = array<i32>} : memref<1x32x64xi32, #tpu.memory_space<vmem>>, vector<16xi32>,
    %add3A_605 = arith.addi %mul3A_472, %get3A_604 : vector<16xi32>
    tpu.vector_store_idx %arg6[%add3A_605], %broadcast_in_dim3A_3 {add = true} : memref<65536xf32, #tpu.memory_space<vmem>>[vector<16xi32>], vector<16xf32>,
    %get3A_606 = arith.constant 0 : i32
    %get3A_607 = arith.constant 19 : i32
    %get3A_608 = arith.index_cast %get3A_606 : i32 to index
    %get3A_609 = arith.index_cast %get3A_607 : i32 to index
    %get3A_610 = arith.constant 32 : index
    %get3A_611 = tpu.vector_load %arg5[%get3A_608, %get3A_609, %get3A_610] {strides = array<i32>} : memref<1x32x64xi32, #tpu.memory_space<vmem>>, vector<16xi32>,
    %add3A_612 = arith.addi %mul3A_472, %get3A_611 : vector<16xi32>
    tpu.vector_store_idx %arg6[%add3A_612], %broadcast_in_dim3A_3 {add = true} : memref<65536xf32, #tpu.memory_space<vmem>>[vector<16xi32>], vector<16xf32>,
    %get3A_613 = arith.constant 0 : i32
    %get3A_614 = arith.constant 20 : i32
    %get3A_615 = arith.index_cast %get3A_613 : i32 to index
    %get3A_616 = arith.index_cast %get3A_614 : i32 to index
    %get3A_617 = arith.constant 32 : index
    %get3A_618 = tpu.vector_load %arg5[%get3A_615, %get3A_616, %get3A_617] {strides = array<i32>} : memref<1x32x64xi32, #tpu.memory_space<vmem>>, vector<16xi32>,
    %add3A_619 = arith.addi %mul3A_472, %get3A_618 : vector<16xi32>
    tpu.vector_store_idx %arg6[%add3A_619], %broadcast_in_dim3A_3 {add = true} : memref<65536xf32, #tpu.memory_space<vmem>>[vector<16xi32>], vector<16xf32>,
    %get3A_620 = arith.constant 0 : i32
    %get3A_621 = arith.constant 21 : i32
    %get3A_622 = arith.index_cast %get3A_620 : i32 to index
    %get3A_623 = arith.index_cast %get3A_621 : i32 to index
    %get3A_624 = arith.constant 32 : index
    %get3A_625 = tpu.vector_load %arg5[%get3A_622, %get3A_623, %get3A_624] {strides = array<i32>} : memref<1x32x64xi32, #tpu.memory_space<vmem>>, vector<16xi32>,
    %add3A_626 = arith.addi %mul3A_472, %get3A_625 : vector<16xi32>
    tpu.vector_store_idx %arg6[%add3A_626], %broadcast_in_dim3A_3 {add = true} : memref<65536xf32, #tpu.memory_space<vmem>>[vector<16xi32>], vector<16xf32>,
    %get3A_627 = arith.constant 0 : i32
    %get3A_628 = arith.constant 22 : i32
    %get3A_629 = arith.index_cast %get3A_627 : i32 to index
    %get3A_630 = arith.index_cast %get3A_628 : i32 to index
    %get3A_631 = arith.constant 32 : index
    %get3A_632 = tpu.vector_load %arg5[%get3A_629, %get3A_630, %get3A_631] {strides = array<i32>} : memref<1x32x64xi32, #tpu.memory_space<vmem>>, vector<16xi32>,
    %add3A_633 = arith.addi %mul3A_472, %get3A_632 : vector<16xi32>
    tpu.vector_store_idx %arg6[%add3A_633], %broadcast_in_dim3A_3 {add = true} : memref<65536xf32, #tpu.memory_space<vmem>>[vector<16xi32>], vector<16xf32>,
    %get3A_634 = arith.constant 0 : i32
    %get3A_635 = arith.constant 23 : i32
    %get3A_636 = arith.index_cast %get3A_634 : i32 to index
    %get3A_637 = arith.index_cast %get3A_635 : i32 to index
    %get3A_638 = arith.constant 32 : index
    %get3A_639 = tpu.vector_load %arg5[%get3A_636, %get3A_637, %get3A_638] {strides = array<i32>} : memref<1x32x64xi32, #tpu.memory_space<vmem>>, vector<16xi32>,
    %add3A_640 = arith.addi %mul3A_472, %get3A_639 : vector<16xi32>
    tpu.vector_store_idx %arg6[%add3A_640], %broadcast_in_dim3A_3 {add = true} : memref<65536xf32, #tpu.memory_space<vmem>>[vector<16xi32>], vector<16xf32>,
    %get3A_641 = arith.constant 0 : i32
    %get3A_642 = arith.constant 24 : i32
    %get3A_643 = arith.index_cast %get3A_641 : i32 to index
    %get3A_644 = arith.index_cast %get3A_642 : i32 to index
    %get3A_645 = arith.constant 32 : index
    %get3A_646 = tpu.vector_load %arg5[%get3A_643, %get3A_644, %get3A_645] {strides = array<i32>} : memref<1x32x64xi32, #tpu.memory_space<vmem>>, vector<16xi32>,
    %add3A_647 = arith.addi %mul3A_472, %get3A_646 : vector<16xi32>
    tpu.vector_store_idx %arg6[%add3A_647], %broadcast_in_dim3A_3 {add = true} : memref<65536xf32, #tpu.memory_space<vmem>>[vector<16xi32>], vector<16xf32>,
    %get3A_648 = arith.constant 0 : i32
    %get3A_649 = arith.constant 25 : i32
    %get3A_650 = arith.index_cast %get3A_648 : i32 to index
    %get3A_651 = arith.index_cast %get3A_649 : i32 to index
    %get3A_652 = arith.constant 32 : index
    %get3A_653 = tpu.vector_load %arg5[%get3A_650, %get3A_651, %get3A_652] {strides = array<i32>} : memref<1x32x64xi32, #tpu.memory_space<vmem>>, vector<16xi32>,
    %add3A_654 = arith.addi %mul3A_472, %get3A_653 : vector<16xi32>
    tpu.vector_store_idx %arg6[%add3A_654], %broadcast_in_dim3A_3 {add = true} : memref<65536xf32, #tpu.memory_space<vmem>>[vector<16xi32>], vector<16xf32>,
    %get3A_655 = arith.constant 0 : i32
    %get3A_656 = arith.constant 26 : i32
    %get3A_657 = arith.index_cast %get3A_655 : i32 to index
    %get3A_658 = arith.index_cast %get3A_656 : i32 to index
    %get3A_659 = arith.constant 32 : index
    %get3A_660 = tpu.vector_load %arg5[%get3A_657, %get3A_658, %get3A_659] {strides = array<i32>} : memref<1x32x64xi32, #tpu.memory_space<vmem>>, vector<16xi32>,
    %add3A_661 = arith.addi %mul3A_472, %get3A_660 : vector<16xi32>
    tpu.vector_store_idx %arg6[%add3A_661], %broadcast_in_dim3A_3 {add = true} : memref<65536xf32, #tpu.memory_space<vmem>>[vector<16xi32>], vector<16xf32>,
    %get3A_662 = arith.constant 0 : i32
    %get3A_663 = arith.constant 27 : i32
    %get3A_664 = arith.index_cast %get3A_662 : i32 to index
    %get3A_665 = arith.index_cast %get3A_663 : i32 to index
    %get3A_666 = arith.constant 32 : index
    %get3A_667 = tpu.vector_load %arg5[%get3A_664, %get3A_665, %get3A_666] {strides = array<i32>} : memref<1x32x64xi32, #tpu.memory_space<vmem>>, vector<16xi32>,
    %add3A_668 = arith.addi %mul3A_472, %get3A_667 : vector<16xi32>
    tpu.vector_store_idx %arg6[%add3A_668], %broadcast_in_dim3A_3 {add = true} : memref<65536xf32, #tpu.memory_space<vmem>>[vector<16xi32>], vector<16xf32>,
    %get3A_669 = arith.constant 0 : i32
    %get3A_670 = arith.constant 28 : i32
    %get3A_671 = arith.index_cast %get3A_669 : i32 to index
    %get3A_672 = arith.index_cast %get3A_670 : i32 to index
    %get3A_673 = arith.constant 32 : index
    %get3A_674 = tpu.vector_load %arg5[%get3A_671, %get3A_672, %get3A_673] {strides = array<i32>} : memref<1x32x64xi32, #tpu.memory_space<vmem>>, vector<16xi32>,
    %add3A_675 = arith.addi %mul3A_472, %get3A_674 : vector<16xi32>
    tpu.vector_store_idx %arg6[%add3A_675], %broadcast_in_dim3A_3 {add = true} : memref<65536xf32, #tpu.memory_space<vmem>>[vector<16xi32>], vector<16xf32>,
    %get3A_676 = arith.constant 0 : i32
    %get3A_677 = arith.constant 29 : i32
    %get3A_678 = arith.index_cast %get3A_676 : i32 to index
    %get3A_679 = arith.index_cast %get3A_677 : i32 to index
    %get3A_680 = arith.constant 32 : index
    %get3A_681 = tpu.vector_load %arg5[%get3A_678, %get3A_679, %get3A_680] {strides = array<i32>} : memref<1x32x64xi32, #tpu.memory_space<vmem>>, vector<16xi32>,
    %add3A_682 = arith.addi %mul3A_472, %get3A_681 : vector<16xi32>
    tpu.vector_store_idx %arg6[%add3A_682], %broadcast_in_dim3A_3 {add = true} : memref<65536xf32, #tpu.memory_space<vmem>>[vector<16xi32>], vector<16xf32>,
    %get3A_683 = arith.constant 0 : i32
    %get3A_684 = arith.constant 30 : i32
    %get3A_685 = arith.index_cast %get3A_683 : i32 to index
    %get3A_686 = arith.index_cast %get3A_684 : i32 to index
    %get3A_687 = arith.constant 32 : index
    %get3A_688 = tpu.vector_load %arg5[%get3A_685, %get3A_686, %get3A_687] {strides = array<i32>} : memref<1x32x64xi32, #tpu.memory_space<vmem>>, vector<16xi32>,
    %add3A_689 = arith.addi %mul3A_472, %get3A_688 : vector<16xi32>
    tpu.vector_store_idx %arg6[%add3A_689], %broadcast_in_dim3A_3 {add = true} : memref<65536xf32, #tpu.memory_space<vmem>>[vector<16xi32>], vector<16xf32>,
    %get3A_690 = arith.constant 0 : i32
    %get3A_691 = arith.constant 31 : i32
    %get3A_692 = arith.index_cast %get3A_690 : i32 to index
    %get3A_693 = arith.index_cast %get3A_691 : i32 to index
    %get3A_694 = arith.constant 32 : index
    %get3A_695 = tpu.vector_load %arg5[%get3A_692, %get3A_693, %get3A_694] {strides = array<i32>} : memref<1x32x64xi32, #tpu.memory_space<vmem>>, vector<16xi32>,
    %add3A_696 = arith.addi %mul3A_472, %get3A_695 : vector<16xi32>
    tpu.vector_store_idx %arg6[%add3A_696], %broadcast_in_dim3A_3 {add = true} : memref<65536xf32, #tpu.memory_space<vmem>>[vector<16xi32>], vector<16xf32>,
    %add3A_697 = arith.constant 16 : i32
    %add3A_698 = vector.broadcast %add3A_697 : i32 to vector<16xi32>
    %add3A_699 = arith.addi %iota3A, %add3A_698 : vector<16xi32>
    %mul3A_700 = arith.constant 2048 : i32
    %mul3A_701 = vector.broadcast %mul3A_700 : i32 to vector<16xi32>
    %mul3A_702 = arith.muli %add3A_699, %mul3A_701 : vector<16xi32>
    %get3A_703 = arith.constant 0 : i32
    %get3A_704 = arith.constant 0 : i32
    %get3A_705 = arith.index_cast %get3A_703 : i32 to index
    %get3A_706 = arith.index_cast %get3A_704 : i32 to index
    %get3A_707 = arith.constant 48 : index
    %get3A_708 = tpu.vector_load %arg5[%get3A_705, %get3A_706, %get3A_707] {strides = array<i32>} : memref<1x32x64xi32, #tpu.memory_space<vmem>>, vector<16xi32>,
    %add3A_709 = arith.addi %mul3A_702, %get3A_708 : vector<16xi32>
    tpu.vector_store_idx %arg6[%add3A_709], %broadcast_in_dim3A_3 {add = true} : memref<65536xf32, #tpu.memory_space<vmem>>[vector<16xi32>], vector<16xf32>,
    %get3A_710 = arith.constant 0 : i32
    %get3A_711 = arith.constant 1 : i32
    %get3A_712 = arith.index_cast %get3A_710 : i32 to index
    %get3A_713 = arith.index_cast %get3A_711 : i32 to index
    %get3A_714 = arith.constant 48 : index
    %get3A_715 = tpu.vector_load %arg5[%get3A_712, %get3A_713, %get3A_714] {strides = array<i32>} : memref<1x32x64xi32, #tpu.memory_space<vmem>>, vector<16xi32>,
    %add3A_716 = arith.addi %mul3A_702, %get3A_715 : vector<16xi32>
    tpu.vector_store_idx %arg6[%add3A_716], %broadcast_in_dim3A_3 {add = true} : memref<65536xf32, #tpu.memory_space<vmem>>[vector<16xi32>], vector<16xf32>,
    %get3A_717 = arith.constant 0 : i32
    %get3A_718 = arith.constant 2 : i32
    %get3A_719 = arith.index_cast %get3A_717 : i32 to index
    %get3A_720 = arith.index_cast %get3A_718 : i32 to index
    %get3A_721 = arith.constant 48 : index
    %get3A_722 = tpu.vector_load %arg5[%get3A_719, %get3A_720, %get3A_721] {strides = array<i32>} : memref<1x32x64xi32, #tpu.memory_space<vmem>>, vector<16xi32>,
    %add3A_723 = arith.addi %mul3A_702, %get3A_722 : vector<16xi32>
    tpu.vector_store_idx %arg6[%add3A_723], %broadcast_in_dim3A_3 {add = true} : memref<65536xf32, #tpu.memory_space<vmem>>[vector<16xi32>], vector<16xf32>,
    %get3A_724 = arith.constant 0 : i32
    %get3A_725 = arith.constant 3 : i32
    %get3A_726 = arith.index_cast %get3A_724 : i32 to index
    %get3A_727 = arith.index_cast %get3A_725 : i32 to index
    %get3A_728 = arith.constant 48 : index
    %get3A_729 = tpu.vector_load %arg5[%get3A_726, %get3A_727, %get3A_728] {strides = array<i32>} : memref<1x32x64xi32, #tpu.memory_space<vmem>>, vector<16xi32>,
    %add3A_730 = arith.addi %mul3A_702, %get3A_729 : vector<16xi32>
    tpu.vector_store_idx %arg6[%add3A_730], %broadcast_in_dim3A_3 {add = true} : memref<65536xf32, #tpu.memory_space<vmem>>[vector<16xi32>], vector<16xf32>,
    %get3A_731 = arith.constant 0 : i32
    %get3A_732 = arith.constant 4 : i32
    %get3A_733 = arith.index_cast %get3A_731 : i32 to index
    %get3A_734 = arith.index_cast %get3A_732 : i32 to index
    %get3A_735 = arith.constant 48 : index
    %get3A_736 = tpu.vector_load %arg5[%get3A_733, %get3A_734, %get3A_735] {strides = array<i32>} : memref<1x32x64xi32, #tpu.memory_space<vmem>>, vector<16xi32>,
    %add3A_737 = arith.addi %mul3A_702, %get3A_736 : vector<16xi32>
    tpu.vector_store_idx %arg6[%add3A_737], %broadcast_in_dim3A_3 {add = true} : memref<65536xf32, #tpu.memory_space<vmem>>[vector<16xi32>], vector<16xf32>,
    %get3A_738 = arith.constant 0 : i32
    %get3A_739 = arith.constant 5 : i32
    %get3A_740 = arith.index_cast %get3A_738 : i32 to index
    %get3A_741 = arith.index_cast %get3A_739 : i32 to index
    %get3A_742 = arith.constant 48 : index
    %get3A_743 = tpu.vector_load %arg5[%get3A_740, %get3A_741, %get3A_742] {strides = array<i32>} : memref<1x32x64xi32, #tpu.memory_space<vmem>>, vector<16xi32>,
    %add3A_744 = arith.addi %mul3A_702, %get3A_743 : vector<16xi32>
    tpu.vector_store_idx %arg6[%add3A_744], %broadcast_in_dim3A_3 {add = true} : memref<65536xf32, #tpu.memory_space<vmem>>[vector<16xi32>], vector<16xf32>,
    %get3A_745 = arith.constant 0 : i32
    %get3A_746 = arith.constant 6 : i32
    %get3A_747 = arith.index_cast %get3A_745 : i32 to index
    %get3A_748 = arith.index_cast %get3A_746 : i32 to index
    %get3A_749 = arith.constant 48 : index
    %get3A_750 = tpu.vector_load %arg5[%get3A_747, %get3A_748, %get3A_749] {strides = array<i32>} : memref<1x32x64xi32, #tpu.memory_space<vmem>>, vector<16xi32>,
    %add3A_751 = arith.addi %mul3A_702, %get3A_750 : vector<16xi32>
    tpu.vector_store_idx %arg6[%add3A_751], %broadcast_in_dim3A_3 {add = true} : memref<65536xf32, #tpu.memory_space<vmem>>[vector<16xi32>], vector<16xf32>,
    %get3A_752 = arith.constant 0 : i32
    %get3A_753 = arith.constant 7 : i32
    %get3A_754 = arith.index_cast %get3A_752 : i32 to index
    %get3A_755 = arith.index_cast %get3A_753 : i32 to index
    %get3A_756 = arith.constant 48 : index
    %get3A_757 = tpu.vector_load %arg5[%get3A_754, %get3A_755, %get3A_756] {strides = array<i32>} : memref<1x32x64xi32, #tpu.memory_space<vmem>>, vector<16xi32>,
    %add3A_758 = arith.addi %mul3A_702, %get3A_757 : vector<16xi32>
    tpu.vector_store_idx %arg6[%add3A_758], %broadcast_in_dim3A_3 {add = true} : memref<65536xf32, #tpu.memory_space<vmem>>[vector<16xi32>], vector<16xf32>,
    %get3A_759 = arith.constant 0 : i32
    %get3A_760 = arith.constant 8 : i32
    %get3A_761 = arith.index_cast %get3A_759 : i32 to index
    %get3A_762 = arith.index_cast %get3A_760 : i32 to index
    %get3A_763 = arith.constant 48 : index
    %get3A_764 = tpu.vector_load %arg5[%get3A_761, %get3A_762, %get3A_763] {strides = array<i32>} : memref<1x32x64xi32, #tpu.memory_space<vmem>>, vector<16xi32>,
    %add3A_765 = arith.addi %mul3A_702, %get3A_764 : vector<16xi32>
    tpu.vector_store_idx %arg6[%add3A_765], %broadcast_in_dim3A_3 {add = true} : memref<65536xf32, #tpu.memory_space<vmem>>[vector<16xi32>], vector<16xf32>,
    %get3A_766 = arith.constant 0 : i32
    %get3A_767 = arith.constant 9 : i32
    %get3A_768 = arith.index_cast %get3A_766 : i32 to index
    %get3A_769 = arith.index_cast %get3A_767 : i32 to index
    %get3A_770 = arith.constant 48 : index
    %get3A_771 = tpu.vector_load %arg5[%get3A_768, %get3A_769, %get3A_770] {strides = array<i32>} : memref<1x32x64xi32, #tpu.memory_space<vmem>>, vector<16xi32>,
    %add3A_772 = arith.addi %mul3A_702, %get3A_771 : vector<16xi32>
    tpu.vector_store_idx %arg6[%add3A_772], %broadcast_in_dim3A_3 {add = true} : memref<65536xf32, #tpu.memory_space<vmem>>[vector<16xi32>], vector<16xf32>,
    %get3A_773 = arith.constant 0 : i32
    %get3A_774 = arith.constant 10 : i32
    %get3A_775 = arith.index_cast %get3A_773 : i32 to index
    %get3A_776 = arith.index_cast %get3A_774 : i32 to index
    %get3A_777 = arith.constant 48 : index
    %get3A_778 = tpu.vector_load %arg5[%get3A_775, %get3A_776, %get3A_777] {strides = array<i32>} : memref<1x32x64xi32, #tpu.memory_space<vmem>>, vector<16xi32>,
    %add3A_779 = arith.addi %mul3A_702, %get3A_778 : vector<16xi32>
    tpu.vector_store_idx %arg6[%add3A_779], %broadcast_in_dim3A_3 {add = true} : memref<65536xf32, #tpu.memory_space<vmem>>[vector<16xi32>], vector<16xf32>,
    %get3A_780 = arith.constant 0 : i32
    %get3A_781 = arith.constant 11 : i32
    %get3A_782 = arith.index_cast %get3A_780 : i32 to index
    %get3A_783 = arith.index_cast %get3A_781 : i32 to index
    %get3A_784 = arith.constant 48 : index
    %get3A_785 = tpu.vector_load %arg5[%get3A_782, %get3A_783, %get3A_784] {strides = array<i32>} : memref<1x32x64xi32, #tpu.memory_space<vmem>>, vector<16xi32>,
    %add3A_786 = arith.addi %mul3A_702, %get3A_785 : vector<16xi32>
    tpu.vector_store_idx %arg6[%add3A_786], %broadcast_in_dim3A_3 {add = true} : memref<65536xf32, #tpu.memory_space<vmem>>[vector<16xi32>], vector<16xf32>,
    %get3A_787 = arith.constant 0 : i32
    %get3A_788 = arith.constant 12 : i32
    %get3A_789 = arith.index_cast %get3A_787 : i32 to index
    %get3A_790 = arith.index_cast %get3A_788 : i32 to index
    %get3A_791 = arith.constant 48 : index
    %get3A_792 = tpu.vector_load %arg5[%get3A_789, %get3A_790, %get3A_791] {strides = array<i32>} : memref<1x32x64xi32, #tpu.memory_space<vmem>>, vector<16xi32>,
    %add3A_793 = arith.addi %mul3A_702, %get3A_792 : vector<16xi32>
    tpu.vector_store_idx %arg6[%add3A_793], %broadcast_in_dim3A_3 {add = true} : memref<65536xf32, #tpu.memory_space<vmem>>[vector<16xi32>], vector<16xf32>,
    %get3A_794 = arith.constant 0 : i32
    %get3A_795 = arith.constant 13 : i32
    %get3A_796 = arith.index_cast %get3A_794 : i32 to index
    %get3A_797 = arith.index_cast %get3A_795 : i32 to index
    %get3A_798 = arith.constant 48 : index
    %get3A_799 = tpu.vector_load %arg5[%get3A_796, %get3A_797, %get3A_798] {strides = array<i32>} : memref<1x32x64xi32, #tpu.memory_space<vmem>>, vector<16xi32>,
    %add3A_800 = arith.addi %mul3A_702, %get3A_799 : vector<16xi32>
    tpu.vector_store_idx %arg6[%add3A_800], %broadcast_in_dim3A_3 {add = true} : memref<65536xf32, #tpu.memory_space<vmem>>[vector<16xi32>], vector<16xf32>,
    %get3A_801 = arith.constant 0 : i32
    %get3A_802 = arith.constant 14 : i32
    %get3A_803 = arith.index_cast %get3A_801 : i32 to index
    %get3A_804 = arith.index_cast %get3A_802 : i32 to index
    %get3A_805 = arith.constant 48 : index
    %get3A_806 = tpu.vector_load %arg5[%get3A_803, %get3A_804, %get3A_805] {strides = array<i32>} : memref<1x32x64xi32, #tpu.memory_space<vmem>>, vector<16xi32>,
    %add3A_807 = arith.addi %mul3A_702, %get3A_806 : vector<16xi32>
    tpu.vector_store_idx %arg6[%add3A_807], %broadcast_in_dim3A_3 {add = true} : memref<65536xf32, #tpu.memory_space<vmem>>[vector<16xi32>], vector<16xf32>,
    %get3A_808 = arith.constant 0 : i32
    %get3A_809 = arith.constant 15 : i32
    %get3A_810 = arith.index_cast %get3A_808 : i32 to index
    %get3A_811 = arith.index_cast %get3A_809 : i32 to index
    %get3A_812 = arith.constant 48 : index
    %get3A_813 = tpu.vector_load %arg5[%get3A_810, %get3A_811, %get3A_812] {strides = array<i32>} : memref<1x32x64xi32, #tpu.memory_space<vmem>>, vector<16xi32>,
    %add3A_814 = arith.addi %mul3A_702, %get3A_813 : vector<16xi32>
    tpu.vector_store_idx %arg6[%add3A_814], %broadcast_in_dim3A_3 {add = true} : memref<65536xf32, #tpu.memory_space<vmem>>[vector<16xi32>], vector<16xf32>,
    %get3A_815 = arith.constant 0 : i32
    %get3A_816 = arith.constant 16 : i32
    %get3A_817 = arith.index_cast %get3A_815 : i32 to index
    %get3A_818 = arith.index_cast %get3A_816 : i32 to index
    %get3A_819 = arith.constant 48 : index
    %get3A_820 = tpu.vector_load %arg5[%get3A_817, %get3A_818, %get3A_819] {strides = array<i32>} : memref<1x32x64xi32, #tpu.memory_space<vmem>>, vector<16xi32>,
    %add3A_821 = arith.addi %mul3A_702, %get3A_820 : vector<16xi32>
    tpu.vector_store_idx %arg6[%add3A_821], %broadcast_in_dim3A_3 {add = true} : memref<65536xf32, #tpu.memory_space<vmem>>[vector<16xi32>], vector<16xf32>,
    %get3A_822 = arith.constant 0 : i32
    %get3A_823 = arith.constant 17 : i32
    %get3A_824 = arith.index_cast %get3A_822 : i32 to index
    %get3A_825 = arith.index_cast %get3A_823 : i32 to index
    %get3A_826 = arith.constant 48 : index
    %get3A_827 = tpu.vector_load %arg5[%get3A_824, %get3A_825, %get3A_826] {strides = array<i32>} : memref<1x32x64xi32, #tpu.memory_space<vmem>>, vector<16xi32>,
    %add3A_828 = arith.addi %mul3A_702, %get3A_827 : vector<16xi32>
    tpu.vector_store_idx %arg6[%add3A_828], %broadcast_in_dim3A_3 {add = true} : memref<65536xf32, #tpu.memory_space<vmem>>[vector<16xi32>], vector<16xf32>,
    %get3A_829 = arith.constant 0 : i32
    %get3A_830 = arith.constant 18 : i32
    %get3A_831 = arith.index_cast %get3A_829 : i32 to index
    %get3A_832 = arith.index_cast %get3A_830 : i32 to index
    %get3A_833 = arith.constant 48 : index
    %get3A_834 = tpu.vector_load %arg5[%get3A_831, %get3A_832, %get3A_833] {strides = array<i32>} : memref<1x32x64xi32, #tpu.memory_space<vmem>>, vector<16xi32>,
    %add3A_835 = arith.addi %mul3A_702, %get3A_834 : vector<16xi32>
    tpu.vector_store_idx %arg6[%add3A_835], %broadcast_in_dim3A_3 {add = true} : memref<65536xf32, #tpu.memory_space<vmem>>[vector<16xi32>], vector<16xf32>,
    %get3A_836 = arith.constant 0 : i32
    %get3A_837 = arith.constant 19 : i32
    %get3A_838 = arith.index_cast %get3A_836 : i32 to index
    %get3A_839 = arith.index_cast %get3A_837 : i32 to index
    %get3A_840 = arith.constant 48 : index
    %get3A_841 = tpu.vector_load %arg5[%get3A_838, %get3A_839, %get3A_840] {strides = array<i32>} : memref<1x32x64xi32, #tpu.memory_space<vmem>>, vector<16xi32>,
    %add3A_842 = arith.addi %mul3A_702, %get3A_841 : vector<16xi32>
    tpu.vector_store_idx %arg6[%add3A_842], %broadcast_in_dim3A_3 {add = true} : memref<65536xf32, #tpu.memory_space<vmem>>[vector<16xi32>], vector<16xf32>,
    %get3A_843 = arith.constant 0 : i32
    %get3A_844 = arith.constant 20 : i32
    %get3A_845 = arith.index_cast %get3A_843 : i32 to index
    %get3A_846 = arith.index_cast %get3A_844 : i32 to index
    %get3A_847 = arith.constant 48 : index
    %get3A_848 = tpu.vector_load %arg5[%get3A_845, %get3A_846, %get3A_847] {strides = array<i32>} : memref<1x32x64xi32, #tpu.memory_space<vmem>>, vector<16xi32>,
    %add3A_849 = arith.addi %mul3A_702, %get3A_848 : vector<16xi32>
    tpu.vector_store_idx %arg6[%add3A_849], %broadcast_in_dim3A_3 {add = true} : memref<65536xf32, #tpu.memory_space<vmem>>[vector<16xi32>], vector<16xf32>,
    %get3A_850 = arith.constant 0 : i32
    %get3A_851 = arith.constant 21 : i32
    %get3A_852 = arith.index_cast %get3A_850 : i32 to index
    %get3A_853 = arith.index_cast %get3A_851 : i32 to index
    %get3A_854 = arith.constant 48 : index
    %get3A_855 = tpu.vector_load %arg5[%get3A_852, %get3A_853, %get3A_854] {strides = array<i32>} : memref<1x32x64xi32, #tpu.memory_space<vmem>>, vector<16xi32>,
    %add3A_856 = arith.addi %mul3A_702, %get3A_855 : vector<16xi32>
    tpu.vector_store_idx %arg6[%add3A_856], %broadcast_in_dim3A_3 {add = true} : memref<65536xf32, #tpu.memory_space<vmem>>[vector<16xi32>], vector<16xf32>,
    %get3A_857 = arith.constant 0 : i32
    %get3A_858 = arith.constant 22 : i32
    %get3A_859 = arith.index_cast %get3A_857 : i32 to index
    %get3A_860 = arith.index_cast %get3A_858 : i32 to index
    %get3A_861 = arith.constant 48 : index
    %get3A_862 = tpu.vector_load %arg5[%get3A_859, %get3A_860, %get3A_861] {strides = array<i32>} : memref<1x32x64xi32, #tpu.memory_space<vmem>>, vector<16xi32>,
    %add3A_863 = arith.addi %mul3A_702, %get3A_862 : vector<16xi32>
    tpu.vector_store_idx %arg6[%add3A_863], %broadcast_in_dim3A_3 {add = true} : memref<65536xf32, #tpu.memory_space<vmem>>[vector<16xi32>], vector<16xf32>,
    %get3A_864 = arith.constant 0 : i32
    %get3A_865 = arith.constant 23 : i32
    %get3A_866 = arith.index_cast %get3A_864 : i32 to index
    %get3A_867 = arith.index_cast %get3A_865 : i32 to index
    %get3A_868 = arith.constant 48 : index
    %get3A_869 = tpu.vector_load %arg5[%get3A_866, %get3A_867, %get3A_868] {strides = array<i32>} : memref<1x32x64xi32, #tpu.memory_space<vmem>>, vector<16xi32>,
    %add3A_870 = arith.addi %mul3A_702, %get3A_869 : vector<16xi32>
    tpu.vector_store_idx %arg6[%add3A_870], %broadcast_in_dim3A_3 {add = true} : memref<65536xf32, #tpu.memory_space<vmem>>[vector<16xi32>], vector<16xf32>,
    %get3A_871 = arith.constant 0 : i32
    %get3A_872 = arith.constant 24 : i32
    %get3A_873 = arith.index_cast %get3A_871 : i32 to index
    %get3A_874 = arith.index_cast %get3A_872 : i32 to index
    %get3A_875 = arith.constant 48 : index
    %get3A_876 = tpu.vector_load %arg5[%get3A_873, %get3A_874, %get3A_875] {strides = array<i32>} : memref<1x32x64xi32, #tpu.memory_space<vmem>>, vector<16xi32>,
    %add3A_877 = arith.addi %mul3A_702, %get3A_876 : vector<16xi32>
    tpu.vector_store_idx %arg6[%add3A_877], %broadcast_in_dim3A_3 {add = true} : memref<65536xf32, #tpu.memory_space<vmem>>[vector<16xi32>], vector<16xf32>,
    %get3A_878 = arith.constant 0 : i32
    %get3A_879 = arith.constant 25 : i32
    %get3A_880 = arith.index_cast %get3A_878 : i32 to index
    %get3A_881 = arith.index_cast %get3A_879 : i32 to index
    %get3A_882 = arith.constant 48 : index
    %get3A_883 = tpu.vector_load %arg5[%get3A_880, %get3A_881, %get3A_882] {strides = array<i32>} : memref<1x32x64xi32, #tpu.memory_space<vmem>>, vector<16xi32>,
    %add3A_884 = arith.addi %mul3A_702, %get3A_883 : vector<16xi32>
    tpu.vector_store_idx %arg6[%add3A_884], %broadcast_in_dim3A_3 {add = true} : memref<65536xf32, #tpu.memory_space<vmem>>[vector<16xi32>], vector<16xf32>,
    %get3A_885 = arith.constant 0 : i32
    %get3A_886 = arith.constant 26 : i32
    %get3A_887 = arith.index_cast %get3A_885 : i32 to index
    %get3A_888 = arith.index_cast %get3A_886 : i32 to index
    %get3A_889 = arith.constant 48 : index
    %get3A_890 = tpu.vector_load %arg5[%get3A_887, %get3A_888, %get3A_889] {strides = array<i32>} : memref<1x32x64xi32, #tpu.memory_space<vmem>>, vector<16xi32>,
    %add3A_891 = arith.addi %mul3A_702, %get3A_890 : vector<16xi32>
    tpu.vector_store_idx %arg6[%add3A_891], %broadcast_in_dim3A_3 {add = true} : memref<65536xf32, #tpu.memory_space<vmem>>[vector<16xi32>], vector<16xf32>,
    %get3A_892 = arith.constant 0 : i32
    %get3A_893 = arith.constant 27 : i32
    %get3A_894 = arith.index_cast %get3A_892 : i32 to index
    %get3A_895 = arith.index_cast %get3A_893 : i32 to index
    %get3A_896 = arith.constant 48 : index
    %get3A_897 = tpu.vector_load %arg5[%get3A_894, %get3A_895, %get3A_896] {strides = array<i32>} : memref<1x32x64xi32, #tpu.memory_space<vmem>>, vector<16xi32>,
    %add3A_898 = arith.addi %mul3A_702, %get3A_897 : vector<16xi32>
    tpu.vector_store_idx %arg6[%add3A_898], %broadcast_in_dim3A_3 {add = true} : memref<65536xf32, #tpu.memory_space<vmem>>[vector<16xi32>], vector<16xf32>,
    %get3A_899 = arith.constant 0 : i32
    %get3A_900 = arith.constant 28 : i32
    %get3A_901 = arith.index_cast %get3A_899 : i32 to index
    %get3A_902 = arith.index_cast %get3A_900 : i32 to index
    %get3A_903 = arith.constant 48 : index
    %get3A_904 = tpu.vector_load %arg5[%get3A_901, %get3A_902, %get3A_903] {strides = array<i32>} : memref<1x32x64xi32, #tpu.memory_space<vmem>>, vector<16xi32>,
    %add3A_905 = arith.addi %mul3A_702, %get3A_904 : vector<16xi32>
    tpu.vector_store_idx %arg6[%add3A_905], %broadcast_in_dim3A_3 {add = true} : memref<65536xf32, #tpu.memory_space<vmem>>[vector<16xi32>], vector<16xf32>,
    %get3A_906 = arith.constant 0 : i32
    %get3A_907 = arith.constant 29 : i32
    %get3A_908 = arith.index_cast %get3A_906 : i32 to index
    %get3A_909 = arith.index_cast %get3A_907 : i32 to index
    %get3A_910 = arith.constant 48 : index
    %get3A_911 = tpu.vector_load %arg5[%get3A_908, %get3A_909, %get3A_910] {strides = array<i32>} : memref<1x32x64xi32, #tpu.memory_space<vmem>>, vector<16xi32>,
    %add3A_912 = arith.addi %mul3A_702, %get3A_911 : vector<16xi32>
    tpu.vector_store_idx %arg6[%add3A_912], %broadcast_in_dim3A_3 {add = true} : memref<65536xf32, #tpu.memory_space<vmem>>[vector<16xi32>], vector<16xf32>,
    %get3A_913 = arith.constant 0 : i32
    %get3A_914 = arith.constant 30 : i32
    %get3A_915 = arith.index_cast %get3A_913 : i32 to index
    %get3A_916 = arith.index_cast %get3A_914 : i32 to index
    %get3A_917 = arith.constant 48 : index
    %get3A_918 = tpu.vector_load %arg5[%get3A_915, %get3A_916, %get3A_917] {strides = array<i32>} : memref<1x32x64xi32, #tpu.memory_space<vmem>>, vector<16xi32>,
    %add3A_919 = arith.addi %mul3A_702, %get3A_918 : vector<16xi32>
    tpu.vector_store_idx %arg6[%add3A_919], %broadcast_in_dim3A_3 {add = true} : memref<65536xf32, #tpu.memory_space<vmem>>[vector<16xi32>], vector<16xf32>,
    %get3A_920 = arith.constant 0 : i32
    %get3A_921 = arith.constant 31 : i32
    %get3A_922 = arith.index_cast %get3A_920 : i32 to index
    %get3A_923 = arith.index_cast %get3A_921 : i32 to index
    %get3A_924 = arith.constant 48 : index
    %get3A_925 = tpu.vector_load %arg5[%get3A_922, %get3A_923, %get3A_924] {strides = array<i32>} : memref<1x32x64xi32, #tpu.memory_space<vmem>>, vector<16xi32>,
    %add3A_926 = arith.addi %mul3A_702, %get3A_925 : vector<16xi32>
    tpu.vector_store_idx %arg6[%add3A_926], %broadcast_in_dim3A_3 {add = true} : memref<65536xf32, #tpu.memory_space<vmem>>[vector<16xi32>], vector<16xf32>,
    %add3A_927 = arith.constant 32 : i32
    %add3A_928 = arith.addi %mul3A_2, %add3A_927 : i32
    %mul3A_929 = arith.constant 2048 : i32
    %mul3A_930 = arith.muli %add3A_928, %mul3A_929 : i32
    "tpu.region"() ({
      %run_scoped3A = tpu.sem_alloc : memref<!tpu.dma_semaphore, #tpu.memory_space<semaphore_mem>>
      %dma_start3A = tpu.memref_slice %arg4[%mul3A_930] : memref<4194304xf32, #tpu.memory_space<hbm>> -> memref<65536xf32, #tpu.memory_space<hbm>>
      %dma_start3A_931 = tpu.memref_slice %arg4[%mul3A_930] : memref<4194304xf32, #tpu.memory_space<hbm>> -> memref<65536xf32, #tpu.memory_space<hbm>>
      tpu.enqueue_dma source(%arg6 : memref<65536xf32, #tpu.memory_space<vmem>>) target(%dma_start3A_931 : memref<65536xf32, #tpu.memory_space<hbm>>) target_semaphore(%run_scoped3A : memref<!tpu.dma_semaphore, #tpu.memory_space<semaphore_mem>>)
      %dma_wait3A = tpu.memref_slice %arg4[%mul3A_930] : memref<4194304xf32, #tpu.memory_space<hbm>> -> memref<65536xf32, #tpu.memory_space<hbm>>
      %dma_wait3A_932 = tpu.memref_slice %arg4[%mul3A_930] : memref<4194304xf32, #tpu.memory_space<hbm>> -> memref<65536xf32, #tpu.memory_space<hbm>>
      tpu.wait_dma2 semaphore(%run_scoped3A : memref<!tpu.dma_semaphore, #tpu.memory_space<semaphore_mem>>) src(%arg6 : memref<65536xf32, #tpu.memory_space<vmem>>) dst(%dma_wait3A_932 : memref<65536xf32, #tpu.memory_space<hbm>>)
      tpu.yield
    }) : () -> ()
    return
  }
}

module attributes {stable_mosaic.version = 14 : i64} {
  func.func @_proj_kernel(%arg0: i32, %arg1: memref<256x1024xf32, #tpu.memory_space<vmem>>, %arg2: memref<1024x1024xf32, #tpu.memory_space<vmem>>, %arg3: memref<1x1x1024xf32, #tpu.memory_space<vmem>>, %arg4: memref<16x256x64xf32, #tpu.memory_space<vmem>>) attributes {dimension_semantics = [#tpu.dimension_semantics<arbitrary>], iteration_bounds = array<i64: 24>, scalar_prefetch = 0 : i64, scratch_operands = 0 : i64, tpu.core_type = #tpu.core_type<tc>, window_params = [{transform_indices = @transform_0, window_bounds = array<i64: 256, 1024>}, {transform_indices = @transform_1, window_bounds = array<i64: 1024, 1024>}, {transform_indices = @transform_2, window_bounds = array<i64: 1, 1, 1024>}, {transform_indices = @transform_3, window_bounds = array<i64: 16, 256, 64>}]} {
    %get3A = arith.constant 0 : index
    %get3A_0 = arith.constant 0 : index
    %get3A_1 = vector.load %arg1[%get3A, %get3A_0] : memref<256x1024xf32, #tpu.memory_space<vmem>>, vector<256x1024xf32>
    %get3A_2 = arith.constant 0 : index
    %get3A_3 = arith.constant 0 : index
    %get3A_4 = vector.load %arg2[%get3A_2, %get3A_3] : memref<1024x1024xf32, #tpu.memory_space<vmem>>, vector<1024x1024xf32>
    %dot_general3A = arith.constant dense<0.000000e+00> : vector<256x1024xf32>
    %dot_general3A_5 = tpu.matmul %get3A_1, %get3A_4, %dot_general3A {dimension_numbers = #tpu.dot_dimension_numbers<[1], [1], [0], [0], [0, 0, 1, 0], [], []>, transpose_lhs_hint = false} : vector<256x1024xf32>, vector<1024x1024xf32>, vector<256x1024xf32> -> vector<256x1024xf32>
    %get3A_6 = arith.constant 0 : index
    %get3A_7 = arith.constant 0 : index
    %get3A_8 = arith.constant 0 : index
    %get3A_9 = vector.load %arg3[%get3A_6, %get3A_7, %get3A_8] : memref<1x1x1024xf32, #tpu.memory_space<vmem>>, vector<1x1x1024xf32>
    %get3A_10 = vector.shape_cast %get3A_9 : vector<1x1x1024xf32> to vector<1x1024xf32>
    %add3A = vector.broadcast %get3A_10 : vector<1x1024xf32> to vector<256x1024xf32>
    %add3A_11 = arith.addf %dot_general3A_5, %add3A : vector<256x1024xf32>
    %reshape3A = vector.shape_cast %add3A_11 : vector<256x1024xf32> to vector<256x16x64xf32>
    %transpose3A = tpu.transpose %reshape3A, [1, 0, 2] : vector<256x16x64xf32> -> vector<16x256x64xf32>
    %swap3A = arith.constant 0 : index
    %swap3A_12 = arith.constant 0 : index
    %swap3A_13 = arith.constant 0 : index
    %swap3A_14 = vector.load %arg4[%swap3A, %swap3A_12, %swap3A_13] : memref<16x256x64xf32, #tpu.memory_space<vmem>>, vector<16x256x64xf32>
    tpu.vector_store %arg4[%swap3A, %swap3A_12, %swap3A_13], %transpose3A {strides = array<i32>} : memref<16x256x64xf32, #tpu.memory_space<vmem>>, vector<16x256x64xf32>,
    return
  }
  func.func @transform_0(%arg0: i32) -> (i32, i32) {
    %c0_i32 = arith.constant 0 : i32
    %c0_i32_0 = arith.constant 0 : i32
    return %arg0, %c0_i32 : i32, i32
  }
  func.func @transform_1(%arg0: i32) -> (i32, i32) {
    %jit3A = arith.constant 8 : i32
    %div3A = arith.divsi %arg0, %jit3A : i32
    %sign3A = arith.constant 0 : i32
    %sign3A_0 = arith.cmpi sgt, %arg0, %sign3A : i32
    %sign3A_1 = arith.extui %sign3A_0 : i1 to i32
    %sign3A_2 = arith.constant 0 : i32
    %sign3A_3 = arith.cmpi slt, %arg0, %sign3A_2 : i32
    %sign3A_4 = arith.extui %sign3A_3 : i1 to i32
    %sign3A_5 = arith.subi %sign3A_1, %sign3A_4 : i32
    %sign3A_6 = arith.constant 0 : i32
    %sign3A_7 = arith.cmpi sgt, %jit3A, %sign3A_6 : i32
    %sign3A_8 = arith.extui %sign3A_7 : i1 to i32
    %sign3A_9 = arith.constant 0 : i32
    %sign3A_10 = arith.cmpi slt, %jit3A, %sign3A_9 : i32
    %sign3A_11 = arith.extui %sign3A_10 : i1 to i32
    %sign3A_12 = arith.subi %sign3A_8, %sign3A_11 : i32
    %ne3A = arith.cmpi ne, %sign3A_5, %sign3A_12 : i32
    %rem3A = arith.remsi %arg0, %jit3A : i32
    %ne3A_13 = arith.constant 0 : i32
    %ne3A_14 = arith.cmpi ne, %rem3A, %ne3A_13 : i32
    %and3A = arith.andi %ne3A, %ne3A_14 : i1
    %sub3A = arith.constant 1 : i32
    %sub3A_15 = arith.subi %div3A, %sub3A : i32
    %select_n3A = arith.select %and3A, %sub3A_15, %div3A : i32
    %c0_i32 = arith.constant 0 : i32
    %c0_i32_16 = arith.constant 0 : i32
    return %select_n3A, %c0_i32 : i32, i32
  }
  func.func @transform_2(%arg0: i32) -> (i32, i32, i32) {
    %jit3A = arith.constant 8 : i32
    %div3A = arith.divsi %arg0, %jit3A : i32
    %sign3A = arith.constant 0 : i32
    %sign3A_0 = arith.cmpi sgt, %arg0, %sign3A : i32
    %sign3A_1 = arith.extui %sign3A_0 : i1 to i32
    %sign3A_2 = arith.constant 0 : i32
    %sign3A_3 = arith.cmpi slt, %arg0, %sign3A_2 : i32
    %sign3A_4 = arith.extui %sign3A_3 : i1 to i32
    %sign3A_5 = arith.subi %sign3A_1, %sign3A_4 : i32
    %sign3A_6 = arith.constant 0 : i32
    %sign3A_7 = arith.cmpi sgt, %jit3A, %sign3A_6 : i32
    %sign3A_8 = arith.extui %sign3A_7 : i1 to i32
    %sign3A_9 = arith.constant 0 : i32
    %sign3A_10 = arith.cmpi slt, %jit3A, %sign3A_9 : i32
    %sign3A_11 = arith.extui %sign3A_10 : i1 to i32
    %sign3A_12 = arith.subi %sign3A_8, %sign3A_11 : i32
    %ne3A = arith.cmpi ne, %sign3A_5, %sign3A_12 : i32
    %rem3A = arith.remsi %arg0, %jit3A : i32
    %ne3A_13 = arith.constant 0 : i32
    %ne3A_14 = arith.cmpi ne, %rem3A, %ne3A_13 : i32
    %and3A = arith.andi %ne3A, %ne3A_14 : i1
    %sub3A = arith.constant 1 : i32
    %sub3A_15 = arith.subi %div3A, %sub3A : i32
    %select_n3A = arith.select %and3A, %sub3A_15, %div3A : i32
    %c0_i32 = arith.constant 0 : i32
    %c0_i32_16 = arith.constant 0 : i32
    %c0_i32_17 = arith.constant 0 : i32
    return %select_n3A, %c0_i32, %c0_i32_16 : i32, i32, i32
  }
  func.func @transform_3(%arg0: i32) -> (i32, i32, i32) {
    %c0_i32 = arith.constant 0 : i32
    %c0_i32_0 = arith.constant 0 : i32
    %c0_i32_1 = arith.constant 0 : i32
    return %c0_i32, %arg0, %c0_i32_0 : i32, i32, i32
  }
}

module attributes {stable_mosaic.version = 14 : i64} {
  func.func @_attn_kernel(%arg0: i32, %arg1: i32, %arg2: memref<1x256x64xf32, #tpu.memory_space<vmem>>, %arg3: memref<1x2048x64xf32, #tpu.memory_space<vmem>>, %arg4: memref<1x2048x64xf32, #tpu.memory_space<vmem>>, %arg5: memref<256x2048xf32, #tpu.memory_space<vmem>>, %arg6: memref<256x32xi32, #tpu.memory_space<vmem>>, %arg7: memref<1x64x1024xf32, #tpu.memory_space<vmem>>, %arg8: memref<1x1024xf32, #tpu.memory_space<vmem>>, %arg9: memref<256x1024xf32, #tpu.memory_space<vmem>>, %arg10: memref<256x32xf32, #tpu.memory_space<vmem>>) attributes {dimension_semantics = [#tpu.dimension_semantics<arbitrary>, #tpu.dimension_semantics<arbitrary>], iteration_bounds = array<i64: 8, 16>, scalar_prefetch = 0 : i64, scratch_operands = 0 : i64, tpu.core_type = #tpu.core_type<tc>, window_params = [{transform_indices = @transform_0, window_bounds = array<i64: 1, 256, 64>}, {transform_indices = @transform_1, window_bounds = array<i64: 1, 2048, 64>}, {transform_indices = @transform_2, window_bounds = array<i64: 1, 2048, 64>}, {transform_indices = @transform_3, window_bounds = array<i64: 256, 2048>}, {transform_indices = @transform_4, window_bounds = array<i64: 256, 32>}, {transform_indices = @transform_5, window_bounds = array<i64: 1, 64, 1024>}, {pipeline_mode = #tpu.pipeline_mode<synchronous>, transform_indices = @transform_6, window_bounds = array<i64: 1, 1024>}, {transform_indices = @transform_7, window_bounds = array<i64: 256, 1024>}, {transform_indices = @transform_8, window_bounds = array<i64: 256, 32>}]} {
    %eq3A = arith.constant 0 : i32
    %eq3A_0 = arith.cmpi eq, %arg1, %eq3A : i32
    %convert_element_type3A = arith.extui %eq3A_0 : i1 to i32
    %cond3A = arith.constant 0 : i32
    %cond3A_1 = arith.cmpi ne, %convert_element_type3A, %cond3A : i32
    scf.if %cond3A_1 {
      %get3A_343 = arith.constant 0 : index
      %get3A_344 = arith.constant 0 : index
      %get3A_345 = vector.load %arg8[%get3A_343, %get3A_344] : memref<1x1024xf32, #tpu.memory_space<vmem>>, vector<1x1024xf32>
      %broadcast_in_dim3A_346 = vector.shape_cast %get3A_345 : vector<1x1024xf32> to vector<1x1024xf32>
      %broadcast_in_dim3A_347 = vector.broadcast %broadcast_in_dim3A_346 : vector<1x1024xf32> to vector<256x1024xf32>
      %swap3A_348 = arith.constant 0 : index
      %swap3A_349 = arith.constant 0 : index
      %swap3A_350 = vector.load %arg9[%swap3A_348, %swap3A_349] : memref<256x1024xf32, #tpu.memory_space<vmem>>, vector<256x1024xf32>
      tpu.vector_store %arg9[%swap3A_348, %swap3A_349], %broadcast_in_dim3A_347 {strides = array<i32>} : memref<256x1024xf32, #tpu.memory_space<vmem>>, vector<256x1024xf32>,
      %broadcast_in_dim3A_351 = arith.constant 0.000000e+00 : f32
      %broadcast_in_dim3A_352 = vector.broadcast %broadcast_in_dim3A_351 : f32 to vector<256x32xf32>
      %swap3A_353 = arith.constant 0 : index
      %swap3A_354 = arith.constant 0 : index
      %swap3A_355 = vector.load %arg10[%swap3A_353, %swap3A_354] : memref<256x32xf32, #tpu.memory_space<vmem>>, vector<256x32xf32>
      tpu.vector_store %arg10[%swap3A_353, %swap3A_354], %broadcast_in_dim3A_352 {strides = array<i32>} : memref<256x32xf32, #tpu.memory_space<vmem>>, vector<256x32xf32>,
    } else {
    }
    %get3A = arith.constant 0 : index
    %get3A_2 = arith.constant 0 : index
    %get3A_3 = arith.constant 0 : index
    %get3A_4 = vector.load %arg2[%get3A, %get3A_2, %get3A_3] : memref<1x256x64xf32, #tpu.memory_space<vmem>>, vector<1x256x64xf32>
    %get3A_5 = vector.shape_cast %get3A_4 : vector<1x256x64xf32> to vector<256x64xf32>
    %get3A_6 = arith.constant 0 : index
    %get3A_7 = arith.constant 0 : index
    %get3A_8 = arith.constant 0 : index
    %get3A_9 = vector.load %arg3[%get3A_6, %get3A_7, %get3A_8] : memref<1x2048x64xf32, #tpu.memory_space<vmem>>, vector<1x2048x64xf32>
    %get3A_10 = vector.shape_cast %get3A_9 : vector<1x2048x64xf32> to vector<2048x64xf32>
    %dot_general3A = arith.constant dense<0.000000e+00> : vector<256x2048xf32>
    %dot_general3A_11 = tpu.matmul %get3A_5, %get3A_10, %dot_general3A {dimension_numbers = #tpu.dot_dimension_numbers<[1], [1], [0], [0], [0, 0, 1, 0], [], []>, transpose_lhs_hint = false} : vector<256x64xf32>, vector<2048x64xf32>, vector<256x2048xf32> -> vector<256x2048xf32>
    %exp3A = math.exp %dot_general3A_11 : vector<256x2048xf32>
    %get3A_12 = arith.constant 0 : index
    %get3A_13 = arith.constant 0 : index
    %get3A_14 = vector.load %arg5[%get3A_12, %get3A_13] : memref<256x2048xf32, #tpu.memory_space<vmem>>, vector<256x2048xf32>
    %mul3A = arith.mulf %exp3A, %get3A_14 : vector<256x2048xf32>
    %reduce_sum3A = arith.constant dense<0.000000e+00> : vector<256xf32>
    %reduce_sum3A_15 = vector.multi_reduction <add>, %mul3A, %reduce_sum3A [1] : vector<256x2048xf32> to vector<256xf32>
    %broadcast_in_dim3A = vector.shape_cast %reduce_sum3A_15 : vector<256xf32> to vector<256x1xf32>
    %div3A = arith.constant 1.000000e+00 : f32
    %div3A_16 = vector.broadcast %div3A : f32 to vector<256x1xf32>
    %div3A_17 = arith.divf %div3A_16, %broadcast_in_dim3A : vector<256x1xf32>
    %get3A_18 = arith.constant 0 : index
    %get3A_19 = arith.constant 0 : index
    %get3A_20 = arith.constant 0 : index
    %get3A_21 = vector.load %arg4[%get3A_18, %get3A_19, %get3A_20] : memref<1x2048x64xf32, #tpu.memory_space<vmem>>, vector<1x2048x64xf32>
    %get3A_22 = vector.shape_cast %get3A_21 : vector<1x2048x64xf32> to vector<2048x64xf32>
    %dot_general3A_23 = arith.constant dense<0.000000e+00> : vector<256x64xf32>
    %dot_general3A_24 = tpu.matmul %mul3A, %get3A_22, %dot_general3A_23 {dimension_numbers = #tpu.dot_dimension_numbers<[1], [0], [0], [1], [0, 0, 1, 1], [], []>, transpose_lhs_hint = false} : vector<256x2048xf32>, vector<2048x64xf32>, vector<256x64xf32> -> vector<256x64xf32>
    %mul3A_25 = vector.broadcast %div3A_17 : vector<256x1xf32> to vector<256x64xf32>
    %mul3A_26 = arith.mulf %dot_general3A_24, %mul3A_25 : vector<256x64xf32>
    %get3A_27 = arith.constant 0 : index
    %get3A_28 = arith.constant 0 : index
    %get3A_29 = vector.load %arg9[%get3A_27, %get3A_28] : memref<256x1024xf32, #tpu.memory_space<vmem>>, vector<256x1024xf32>
    %get3A_30 = arith.constant 0 : index
    %get3A_31 = arith.constant 0 : index
    %get3A_32 = arith.constant 0 : index
    %get3A_33 = vector.load %arg7[%get3A_30, %get3A_31, %get3A_32] : memref<1x64x1024xf32, #tpu.memory_space<vmem>>, vector<1x64x1024xf32>
    %get3A_34 = vector.shape_cast %get3A_33 : vector<1x64x1024xf32> to vector<64x1024xf32>
    %dot_general3A_35 = arith.constant dense<0.000000e+00> : vector<256x1024xf32>
    %dot_general3A_36 = tpu.matmul %mul3A_26, %get3A_34, %dot_general3A_35 {dimension_numbers = #tpu.dot_dimension_numbers<[1], [0], [0], [1], [0, 0, 1, 1], [], []>, transpose_lhs_hint = false} : vector<256x64xf32>, vector<64x1024xf32>, vector<256x1024xf32> -> vector<256x1024xf32>
    %add3A = arith.addf %get3A_29, %dot_general3A_36 : vector<256x1024xf32>
    %swap3A = arith.constant 0 : index
    %swap3A_37 = arith.constant 0 : index
    %swap3A_38 = vector.load %arg9[%swap3A, %swap3A_37] : memref<256x1024xf32, #tpu.memory_space<vmem>>, vector<256x1024xf32>
    tpu.vector_store %arg9[%swap3A, %swap3A_37], %add3A {strides = array<i32>} : memref<256x1024xf32, #tpu.memory_space<vmem>>, vector<256x1024xf32>,
    %get3A_39 = arith.constant 0 : index
    %get3A_40 = arith.constant 0 : index
    %get3A_41 = vector.load %arg6[%get3A_39, %get3A_40] : memref<256x32xi32, #tpu.memory_space<vmem>>, vector<256x32xi32>
    %rem3A = arith.constant 128 : i32
    %rem3A_42 = vector.broadcast %rem3A : i32 to vector<256x32xi32>
    %rem3A_43 = arith.remsi %get3A_41, %rem3A_42 : vector<256x32xi32>
    %div3A_44 = arith.constant 128 : i32
    %div3A_45 = vector.broadcast %div3A_44 : i32 to vector<256x32xi32>
    %div3A_46 = arith.divsi %get3A_41, %div3A_45 : vector<256x32xi32>
    %broadcast_in_dim3A_47 = arith.constant 0.000000e+00 : f32
    %broadcast_in_dim3A_48 = vector.broadcast %broadcast_in_dim3A_47 : f32 to vector<256x32xf32>
    %slice3A = vector.extract_strided_slice %exp3A {offsets = [0, 0], sizes = [256, 128], strides = [1, 1]} : vector<256x2048xf32> to vector<256x128xf32>
    %lt3A = arith.constant 0 : i32
    %lt3A_49 = vector.broadcast %lt3A : i32 to vector<256x32xi32>
    %lt3A_50 = arith.cmpi slt, %rem3A_43, %lt3A_49 : vector<256x32xi32>
    %add3A_51 = arith.constant 128 : i32
    %add3A_52 = vector.broadcast %add3A_51 : i32 to vector<256x32xi32>
    %add3A_53 = arith.addi %rem3A_43, %add3A_52 : vector<256x32xi32>
    %select_n3A = arith.select %lt3A_50, %add3A_53, %rem3A_43 : vector<256x32xi1>, vector<256x32xi32>
    %reshape3A = vector.shape_cast %select_n3A : vector<256x32xi32> to vector<256x32x1xi32>
    %gather3A = vector.shape_cast %reshape3A : vector<256x32x1xi32> to vector<256x32xi32>
    %gather3A_54 = tpu.dynamic_gather %slice3A[%gather3A] in [1] : vector<256x128xf32>, vector<256x32xi32> -> vector<256x32xf32>
    %eq3A_55 = arith.constant 0 : i32
    %eq3A_56 = vector.broadcast %eq3A_55 : i32 to vector<256x32xi32>
    %eq3A_57 = arith.cmpi eq, %div3A_46, %eq3A_56 : vector<256x32xi32>
    %jit3A = arith.constant 0.000000e+00 : f32
    %broadcast_in_dim3A_58 = vector.broadcast %jit3A : f32 to vector<256x32xf32>
    %select_n3A_59 = arith.select %eq3A_57, %gather3A_54, %broadcast_in_dim3A_58 : vector<256x32xi1>, vector<256x32xf32>
    %add3A_60 = arith.addf %broadcast_in_dim3A_48, %select_n3A_59 : vector<256x32xf32>
    %slice3A_61 = vector.extract_strided_slice %exp3A {offsets = [0, 128], sizes = [256, 128], strides = [1, 1]} : vector<256x2048xf32> to vector<256x128xf32>
    %lt3A_62 = arith.constant 0 : i32
    %lt3A_63 = vector.broadcast %lt3A_62 : i32 to vector<256x32xi32>
    %lt3A_64 = arith.cmpi slt, %rem3A_43, %lt3A_63 : vector<256x32xi32>
    %add3A_65 = arith.constant 128 : i32
    %add3A_66 = vector.broadcast %add3A_65 : i32 to vector<256x32xi32>
    %add3A_67 = arith.addi %rem3A_43, %add3A_66 : vector<256x32xi32>
    %select_n3A_68 = arith.select %lt3A_64, %add3A_67, %rem3A_43 : vector<256x32xi1>, vector<256x32xi32>
    %reshape3A_69 = vector.shape_cast %select_n3A_68 : vector<256x32xi32> to vector<256x32x1xi32>
    %gather3A_70 = vector.shape_cast %reshape3A_69 : vector<256x32x1xi32> to vector<256x32xi32>
    %gather3A_71 = tpu.dynamic_gather %slice3A_61[%gather3A_70] in [1] : vector<256x128xf32>, vector<256x32xi32> -> vector<256x32xf32>
    %eq3A_72 = arith.constant 1 : i32
    %eq3A_73 = vector.broadcast %eq3A_72 : i32 to vector<256x32xi32>
    %eq3A_74 = arith.cmpi eq, %div3A_46, %eq3A_73 : vector<256x32xi32>
    %jit3A_75 = arith.constant 0.000000e+00 : f32
    %broadcast_in_dim3A_76 = vector.broadcast %jit3A_75 : f32 to vector<256x32xf32>
    %select_n3A_77 = arith.select %eq3A_74, %gather3A_71, %broadcast_in_dim3A_76 : vector<256x32xi1>, vector<256x32xf32>
    %add3A_78 = arith.addf %add3A_60, %select_n3A_77 : vector<256x32xf32>
    %slice3A_79 = vector.extract_strided_slice %exp3A {offsets = [0, 256], sizes = [256, 128], strides = [1, 1]} : vector<256x2048xf32> to vector<256x128xf32>
    %lt3A_80 = arith.constant 0 : i32
    %lt3A_81 = vector.broadcast %lt3A_80 : i32 to vector<256x32xi32>
    %lt3A_82 = arith.cmpi slt, %rem3A_43, %lt3A_81 : vector<256x32xi32>
    %add3A_83 = arith.constant 128 : i32
    %add3A_84 = vector.broadcast %add3A_83 : i32 to vector<256x32xi32>
    %add3A_85 = arith.addi %rem3A_43, %add3A_84 : vector<256x32xi32>
    %select_n3A_86 = arith.select %lt3A_82, %add3A_85, %rem3A_43 : vector<256x32xi1>, vector<256x32xi32>
    %reshape3A_87 = vector.shape_cast %select_n3A_86 : vector<256x32xi32> to vector<256x32x1xi32>
    %gather3A_88 = vector.shape_cast %reshape3A_87 : vector<256x32x1xi32> to vector<256x32xi32>
    %gather3A_89 = tpu.dynamic_gather %slice3A_79[%gather3A_88] in [1] : vector<256x128xf32>, vector<256x32xi32> -> vector<256x32xf32>
    %eq3A_90 = arith.constant 2 : i32
    %eq3A_91 = vector.broadcast %eq3A_90 : i32 to vector<256x32xi32>
    %eq3A_92 = arith.cmpi eq, %div3A_46, %eq3A_91 : vector<256x32xi32>
    %jit3A_93 = arith.constant 0.000000e+00 : f32
    %broadcast_in_dim3A_94 = vector.broadcast %jit3A_93 : f32 to vector<256x32xf32>
    %select_n3A_95 = arith.select %eq3A_92, %gather3A_89, %broadcast_in_dim3A_94 : vector<256x32xi1>, vector<256x32xf32>
    %add3A_96 = arith.addf %add3A_78, %select_n3A_95 : vector<256x32xf32>
    %slice3A_97 = vector.extract_strided_slice %exp3A {offsets = [0, 384], sizes = [256, 128], strides = [1, 1]} : vector<256x2048xf32> to vector<256x128xf32>
    %lt3A_98 = arith.constant 0 : i32
    %lt3A_99 = vector.broadcast %lt3A_98 : i32 to vector<256x32xi32>
    %lt3A_100 = arith.cmpi slt, %rem3A_43, %lt3A_99 : vector<256x32xi32>
    %add3A_101 = arith.constant 128 : i32
    %add3A_102 = vector.broadcast %add3A_101 : i32 to vector<256x32xi32>
    %add3A_103 = arith.addi %rem3A_43, %add3A_102 : vector<256x32xi32>
    %select_n3A_104 = arith.select %lt3A_100, %add3A_103, %rem3A_43 : vector<256x32xi1>, vector<256x32xi32>
    %reshape3A_105 = vector.shape_cast %select_n3A_104 : vector<256x32xi32> to vector<256x32x1xi32>
    %gather3A_106 = vector.shape_cast %reshape3A_105 : vector<256x32x1xi32> to vector<256x32xi32>
    %gather3A_107 = tpu.dynamic_gather %slice3A_97[%gather3A_106] in [1] : vector<256x128xf32>, vector<256x32xi32> -> vector<256x32xf32>
    %eq3A_108 = arith.constant 3 : i32
    %eq3A_109 = vector.broadcast %eq3A_108 : i32 to vector<256x32xi32>
    %eq3A_110 = arith.cmpi eq, %div3A_46, %eq3A_109 : vector<256x32xi32>
    %jit3A_111 = arith.constant 0.000000e+00 : f32
    %broadcast_in_dim3A_112 = vector.broadcast %jit3A_111 : f32 to vector<256x32xf32>
    %select_n3A_113 = arith.select %eq3A_110, %gather3A_107, %broadcast_in_dim3A_112 : vector<256x32xi1>, vector<256x32xf32>
    %add3A_114 = arith.addf %add3A_96, %select_n3A_113 : vector<256x32xf32>
    %slice3A_115 = vector.extract_strided_slice %exp3A {offsets = [0, 512], sizes = [256, 128], strides = [1, 1]} : vector<256x2048xf32> to vector<256x128xf32>
    %lt3A_116 = arith.constant 0 : i32
    %lt3A_117 = vector.broadcast %lt3A_116 : i32 to vector<256x32xi32>
    %lt3A_118 = arith.cmpi slt, %rem3A_43, %lt3A_117 : vector<256x32xi32>
    %add3A_119 = arith.constant 128 : i32
    %add3A_120 = vector.broadcast %add3A_119 : i32 to vector<256x32xi32>
    %add3A_121 = arith.addi %rem3A_43, %add3A_120 : vector<256x32xi32>
    %select_n3A_122 = arith.select %lt3A_118, %add3A_121, %rem3A_43 : vector<256x32xi1>, vector<256x32xi32>
    %reshape3A_123 = vector.shape_cast %select_n3A_122 : vector<256x32xi32> to vector<256x32x1xi32>
    %gather3A_124 = vector.shape_cast %reshape3A_123 : vector<256x32x1xi32> to vector<256x32xi32>
    %gather3A_125 = tpu.dynamic_gather %slice3A_115[%gather3A_124] in [1] : vector<256x128xf32>, vector<256x32xi32> -> vector<256x32xf32>
    %eq3A_126 = arith.constant 4 : i32
    %eq3A_127 = vector.broadcast %eq3A_126 : i32 to vector<256x32xi32>
    %eq3A_128 = arith.cmpi eq, %div3A_46, %eq3A_127 : vector<256x32xi32>
    %jit3A_129 = arith.constant 0.000000e+00 : f32
    %broadcast_in_dim3A_130 = vector.broadcast %jit3A_129 : f32 to vector<256x32xf32>
    %select_n3A_131 = arith.select %eq3A_128, %gather3A_125, %broadcast_in_dim3A_130 : vector<256x32xi1>, vector<256x32xf32>
    %add3A_132 = arith.addf %add3A_114, %select_n3A_131 : vector<256x32xf32>
    %slice3A_133 = vector.extract_strided_slice %exp3A {offsets = [0, 640], sizes = [256, 128], strides = [1, 1]} : vector<256x2048xf32> to vector<256x128xf32>
    %lt3A_134 = arith.constant 0 : i32
    %lt3A_135 = vector.broadcast %lt3A_134 : i32 to vector<256x32xi32>
    %lt3A_136 = arith.cmpi slt, %rem3A_43, %lt3A_135 : vector<256x32xi32>
    %add3A_137 = arith.constant 128 : i32
    %add3A_138 = vector.broadcast %add3A_137 : i32 to vector<256x32xi32>
    %add3A_139 = arith.addi %rem3A_43, %add3A_138 : vector<256x32xi32>
    %select_n3A_140 = arith.select %lt3A_136, %add3A_139, %rem3A_43 : vector<256x32xi1>, vector<256x32xi32>
    %reshape3A_141 = vector.shape_cast %select_n3A_140 : vector<256x32xi32> to vector<256x32x1xi32>
    %gather3A_142 = vector.shape_cast %reshape3A_141 : vector<256x32x1xi32> to vector<256x32xi32>
    %gather3A_143 = tpu.dynamic_gather %slice3A_133[%gather3A_142] in [1] : vector<256x128xf32>, vector<256x32xi32> -> vector<256x32xf32>
    %eq3A_144 = arith.constant 5 : i32
    %eq3A_145 = vector.broadcast %eq3A_144 : i32 to vector<256x32xi32>
    %eq3A_146 = arith.cmpi eq, %div3A_46, %eq3A_145 : vector<256x32xi32>
    %jit3A_147 = arith.constant 0.000000e+00 : f32
    %broadcast_in_dim3A_148 = vector.broadcast %jit3A_147 : f32 to vector<256x32xf32>
    %select_n3A_149 = arith.select %eq3A_146, %gather3A_143, %broadcast_in_dim3A_148 : vector<256x32xi1>, vector<256x32xf32>
    %add3A_150 = arith.addf %add3A_132, %select_n3A_149 : vector<256x32xf32>
    %slice3A_151 = vector.extract_strided_slice %exp3A {offsets = [0, 768], sizes = [256, 128], strides = [1, 1]} : vector<256x2048xf32> to vector<256x128xf32>
    %lt3A_152 = arith.constant 0 : i32
    %lt3A_153 = vector.broadcast %lt3A_152 : i32 to vector<256x32xi32>
    %lt3A_154 = arith.cmpi slt, %rem3A_43, %lt3A_153 : vector<256x32xi32>
    %add3A_155 = arith.constant 128 : i32
    %add3A_156 = vector.broadcast %add3A_155 : i32 to vector<256x32xi32>
    %add3A_157 = arith.addi %rem3A_43, %add3A_156 : vector<256x32xi32>
    %select_n3A_158 = arith.select %lt3A_154, %add3A_157, %rem3A_43 : vector<256x32xi1>, vector<256x32xi32>
    %reshape3A_159 = vector.shape_cast %select_n3A_158 : vector<256x32xi32> to vector<256x32x1xi32>
    %gather3A_160 = vector.shape_cast %reshape3A_159 : vector<256x32x1xi32> to vector<256x32xi32>
    %gather3A_161 = tpu.dynamic_gather %slice3A_151[%gather3A_160] in [1] : vector<256x128xf32>, vector<256x32xi32> -> vector<256x32xf32>
    %eq3A_162 = arith.constant 6 : i32
    %eq3A_163 = vector.broadcast %eq3A_162 : i32 to vector<256x32xi32>
    %eq3A_164 = arith.cmpi eq, %div3A_46, %eq3A_163 : vector<256x32xi32>
    %jit3A_165 = arith.constant 0.000000e+00 : f32
    %broadcast_in_dim3A_166 = vector.broadcast %jit3A_165 : f32 to vector<256x32xf32>
    %select_n3A_167 = arith.select %eq3A_164, %gather3A_161, %broadcast_in_dim3A_166 : vector<256x32xi1>, vector<256x32xf32>
    %add3A_168 = arith.addf %add3A_150, %select_n3A_167 : vector<256x32xf32>
    %slice3A_169 = vector.extract_strided_slice %exp3A {offsets = [0, 896], sizes = [256, 128], strides = [1, 1]} : vector<256x2048xf32> to vector<256x128xf32>
    %lt3A_170 = arith.constant 0 : i32
    %lt3A_171 = vector.broadcast %lt3A_170 : i32 to vector<256x32xi32>
    %lt3A_172 = arith.cmpi slt, %rem3A_43, %lt3A_171 : vector<256x32xi32>
    %add3A_173 = arith.constant 128 : i32
    %add3A_174 = vector.broadcast %add3A_173 : i32 to vector<256x32xi32>
    %add3A_175 = arith.addi %rem3A_43, %add3A_174 : vector<256x32xi32>
    %select_n3A_176 = arith.select %lt3A_172, %add3A_175, %rem3A_43 : vector<256x32xi1>, vector<256x32xi32>
    %reshape3A_177 = vector.shape_cast %select_n3A_176 : vector<256x32xi32> to vector<256x32x1xi32>
    %gather3A_178 = vector.shape_cast %reshape3A_177 : vector<256x32x1xi32> to vector<256x32xi32>
    %gather3A_179 = tpu.dynamic_gather %slice3A_169[%gather3A_178] in [1] : vector<256x128xf32>, vector<256x32xi32> -> vector<256x32xf32>
    %eq3A_180 = arith.constant 7 : i32
    %eq3A_181 = vector.broadcast %eq3A_180 : i32 to vector<256x32xi32>
    %eq3A_182 = arith.cmpi eq, %div3A_46, %eq3A_181 : vector<256x32xi32>
    %jit3A_183 = arith.constant 0.000000e+00 : f32
    %broadcast_in_dim3A_184 = vector.broadcast %jit3A_183 : f32 to vector<256x32xf32>
    %select_n3A_185 = arith.select %eq3A_182, %gather3A_179, %broadcast_in_dim3A_184 : vector<256x32xi1>, vector<256x32xf32>
    %add3A_186 = arith.addf %add3A_168, %select_n3A_185 : vector<256x32xf32>
    %slice3A_187 = vector.extract_strided_slice %exp3A {offsets = [0, 1024], sizes = [256, 128], strides = [1, 1]} : vector<256x2048xf32> to vector<256x128xf32>
    %lt3A_188 = arith.constant 0 : i32
    %lt3A_189 = vector.broadcast %lt3A_188 : i32 to vector<256x32xi32>
    %lt3A_190 = arith.cmpi slt, %rem3A_43, %lt3A_189 : vector<256x32xi32>
    %add3A_191 = arith.constant 128 : i32
    %add3A_192 = vector.broadcast %add3A_191 : i32 to vector<256x32xi32>
    %add3A_193 = arith.addi %rem3A_43, %add3A_192 : vector<256x32xi32>
    %select_n3A_194 = arith.select %lt3A_190, %add3A_193, %rem3A_43 : vector<256x32xi1>, vector<256x32xi32>
    %reshape3A_195 = vector.shape_cast %select_n3A_194 : vector<256x32xi32> to vector<256x32x1xi32>
    %gather3A_196 = vector.shape_cast %reshape3A_195 : vector<256x32x1xi32> to vector<256x32xi32>
    %gather3A_197 = tpu.dynamic_gather %slice3A_187[%gather3A_196] in [1] : vector<256x128xf32>, vector<256x32xi32> -> vector<256x32xf32>
    %eq3A_198 = arith.constant 8 : i32
    %eq3A_199 = vector.broadcast %eq3A_198 : i32 to vector<256x32xi32>
    %eq3A_200 = arith.cmpi eq, %div3A_46, %eq3A_199 : vector<256x32xi32>
    %jit3A_201 = arith.constant 0.000000e+00 : f32
    %broadcast_in_dim3A_202 = vector.broadcast %jit3A_201 : f32 to vector<256x32xf32>
    %select_n3A_203 = arith.select %eq3A_200, %gather3A_197, %broadcast_in_dim3A_202 : vector<256x32xi1>, vector<256x32xf32>
    %add3A_204 = arith.addf %add3A_186, %select_n3A_203 : vector<256x32xf32>
    %slice3A_205 = vector.extract_strided_slice %exp3A {offsets = [0, 1152], sizes = [256, 128], strides = [1, 1]} : vector<256x2048xf32> to vector<256x128xf32>
    %lt3A_206 = arith.constant 0 : i32
    %lt3A_207 = vector.broadcast %lt3A_206 : i32 to vector<256x32xi32>
    %lt3A_208 = arith.cmpi slt, %rem3A_43, %lt3A_207 : vector<256x32xi32>
    %add3A_209 = arith.constant 128 : i32
    %add3A_210 = vector.broadcast %add3A_209 : i32 to vector<256x32xi32>
    %add3A_211 = arith.addi %rem3A_43, %add3A_210 : vector<256x32xi32>
    %select_n3A_212 = arith.select %lt3A_208, %add3A_211, %rem3A_43 : vector<256x32xi1>, vector<256x32xi32>
    %reshape3A_213 = vector.shape_cast %select_n3A_212 : vector<256x32xi32> to vector<256x32x1xi32>
    %gather3A_214 = vector.shape_cast %reshape3A_213 : vector<256x32x1xi32> to vector<256x32xi32>
    %gather3A_215 = tpu.dynamic_gather %slice3A_205[%gather3A_214] in [1] : vector<256x128xf32>, vector<256x32xi32> -> vector<256x32xf32>
    %eq3A_216 = arith.constant 9 : i32
    %eq3A_217 = vector.broadcast %eq3A_216 : i32 to vector<256x32xi32>
    %eq3A_218 = arith.cmpi eq, %div3A_46, %eq3A_217 : vector<256x32xi32>
    %jit3A_219 = arith.constant 0.000000e+00 : f32
    %broadcast_in_dim3A_220 = vector.broadcast %jit3A_219 : f32 to vector<256x32xf32>
    %select_n3A_221 = arith.select %eq3A_218, %gather3A_215, %broadcast_in_dim3A_220 : vector<256x32xi1>, vector<256x32xf32>
    %add3A_222 = arith.addf %add3A_204, %select_n3A_221 : vector<256x32xf32>
    %slice3A_223 = vector.extract_strided_slice %exp3A {offsets = [0, 1280], sizes = [256, 128], strides = [1, 1]} : vector<256x2048xf32> to vector<256x128xf32>
    %lt3A_224 = arith.constant 0 : i32
    %lt3A_225 = vector.broadcast %lt3A_224 : i32 to vector<256x32xi32>
    %lt3A_226 = arith.cmpi slt, %rem3A_43, %lt3A_225 : vector<256x32xi32>
    %add3A_227 = arith.constant 128 : i32
    %add3A_228 = vector.broadcast %add3A_227 : i32 to vector<256x32xi32>
    %add3A_229 = arith.addi %rem3A_43, %add3A_228 : vector<256x32xi32>
    %select_n3A_230 = arith.select %lt3A_226, %add3A_229, %rem3A_43 : vector<256x32xi1>, vector<256x32xi32>
    %reshape3A_231 = vector.shape_cast %select_n3A_230 : vector<256x32xi32> to vector<256x32x1xi32>
    %gather3A_232 = vector.shape_cast %reshape3A_231 : vector<256x32x1xi32> to vector<256x32xi32>
    %gather3A_233 = tpu.dynamic_gather %slice3A_223[%gather3A_232] in [1] : vector<256x128xf32>, vector<256x32xi32> -> vector<256x32xf32>
    %eq3A_234 = arith.constant 10 : i32
    %eq3A_235 = vector.broadcast %eq3A_234 : i32 to vector<256x32xi32>
    %eq3A_236 = arith.cmpi eq, %div3A_46, %eq3A_235 : vector<256x32xi32>
    %jit3A_237 = arith.constant 0.000000e+00 : f32
    %broadcast_in_dim3A_238 = vector.broadcast %jit3A_237 : f32 to vector<256x32xf32>
    %select_n3A_239 = arith.select %eq3A_236, %gather3A_233, %broadcast_in_dim3A_238 : vector<256x32xi1>, vector<256x32xf32>
    %add3A_240 = arith.addf %add3A_222, %select_n3A_239 : vector<256x32xf32>
    %slice3A_241 = vector.extract_strided_slice %exp3A {offsets = [0, 1408], sizes = [256, 128], strides = [1, 1]} : vector<256x2048xf32> to vector<256x128xf32>
    %lt3A_242 = arith.constant 0 : i32
    %lt3A_243 = vector.broadcast %lt3A_242 : i32 to vector<256x32xi32>
    %lt3A_244 = arith.cmpi slt, %rem3A_43, %lt3A_243 : vector<256x32xi32>
    %add3A_245 = arith.constant 128 : i32
    %add3A_246 = vector.broadcast %add3A_245 : i32 to vector<256x32xi32>
    %add3A_247 = arith.addi %rem3A_43, %add3A_246 : vector<256x32xi32>
    %select_n3A_248 = arith.select %lt3A_244, %add3A_247, %rem3A_43 : vector<256x32xi1>, vector<256x32xi32>
    %reshape3A_249 = vector.shape_cast %select_n3A_248 : vector<256x32xi32> to vector<256x32x1xi32>
    %gather3A_250 = vector.shape_cast %reshape3A_249 : vector<256x32x1xi32> to vector<256x32xi32>
    %gather3A_251 = tpu.dynamic_gather %slice3A_241[%gather3A_250] in [1] : vector<256x128xf32>, vector<256x32xi32> -> vector<256x32xf32>
    %eq3A_252 = arith.constant 11 : i32
    %eq3A_253 = vector.broadcast %eq3A_252 : i32 to vector<256x32xi32>
    %eq3A_254 = arith.cmpi eq, %div3A_46, %eq3A_253 : vector<256x32xi32>
    %jit3A_255 = arith.constant 0.000000e+00 : f32
    %broadcast_in_dim3A_256 = vector.broadcast %jit3A_255 : f32 to vector<256x32xf32>
    %select_n3A_257 = arith.select %eq3A_254, %gather3A_251, %broadcast_in_dim3A_256 : vector<256x32xi1>, vector<256x32xf32>
    %add3A_258 = arith.addf %add3A_240, %select_n3A_257 : vector<256x32xf32>
    %slice3A_259 = vector.extract_strided_slice %exp3A {offsets = [0, 1536], sizes = [256, 128], strides = [1, 1]} : vector<256x2048xf32> to vector<256x128xf32>
    %lt3A_260 = arith.constant 0 : i32
    %lt3A_261 = vector.broadcast %lt3A_260 : i32 to vector<256x32xi32>
    %lt3A_262 = arith.cmpi slt, %rem3A_43, %lt3A_261 : vector<256x32xi32>
    %add3A_263 = arith.constant 128 : i32
    %add3A_264 = vector.broadcast %add3A_263 : i32 to vector<256x32xi32>
    %add3A_265 = arith.addi %rem3A_43, %add3A_264 : vector<256x32xi32>
    %select_n3A_266 = arith.select %lt3A_262, %add3A_265, %rem3A_43 : vector<256x32xi1>, vector<256x32xi32>
    %reshape3A_267 = vector.shape_cast %select_n3A_266 : vector<256x32xi32> to vector<256x32x1xi32>
    %gather3A_268 = vector.shape_cast %reshape3A_267 : vector<256x32x1xi32> to vector<256x32xi32>
    %gather3A_269 = tpu.dynamic_gather %slice3A_259[%gather3A_268] in [1] : vector<256x128xf32>, vector<256x32xi32> -> vector<256x32xf32>
    %eq3A_270 = arith.constant 12 : i32
    %eq3A_271 = vector.broadcast %eq3A_270 : i32 to vector<256x32xi32>
    %eq3A_272 = arith.cmpi eq, %div3A_46, %eq3A_271 : vector<256x32xi32>
    %jit3A_273 = arith.constant 0.000000e+00 : f32
    %broadcast_in_dim3A_274 = vector.broadcast %jit3A_273 : f32 to vector<256x32xf32>
    %select_n3A_275 = arith.select %eq3A_272, %gather3A_269, %broadcast_in_dim3A_274 : vector<256x32xi1>, vector<256x32xf32>
    %add3A_276 = arith.addf %add3A_258, %select_n3A_275 : vector<256x32xf32>
    %slice3A_277 = vector.extract_strided_slice %exp3A {offsets = [0, 1664], sizes = [256, 128], strides = [1, 1]} : vector<256x2048xf32> to vector<256x128xf32>
    %lt3A_278 = arith.constant 0 : i32
    %lt3A_279 = vector.broadcast %lt3A_278 : i32 to vector<256x32xi32>
    %lt3A_280 = arith.cmpi slt, %rem3A_43, %lt3A_279 : vector<256x32xi32>
    %add3A_281 = arith.constant 128 : i32
    %add3A_282 = vector.broadcast %add3A_281 : i32 to vector<256x32xi32>
    %add3A_283 = arith.addi %rem3A_43, %add3A_282 : vector<256x32xi32>
    %select_n3A_284 = arith.select %lt3A_280, %add3A_283, %rem3A_43 : vector<256x32xi1>, vector<256x32xi32>
    %reshape3A_285 = vector.shape_cast %select_n3A_284 : vector<256x32xi32> to vector<256x32x1xi32>
    %gather3A_286 = vector.shape_cast %reshape3A_285 : vector<256x32x1xi32> to vector<256x32xi32>
    %gather3A_287 = tpu.dynamic_gather %slice3A_277[%gather3A_286] in [1] : vector<256x128xf32>, vector<256x32xi32> -> vector<256x32xf32>
    %eq3A_288 = arith.constant 13 : i32
    %eq3A_289 = vector.broadcast %eq3A_288 : i32 to vector<256x32xi32>
    %eq3A_290 = arith.cmpi eq, %div3A_46, %eq3A_289 : vector<256x32xi32>
    %jit3A_291 = arith.constant 0.000000e+00 : f32
    %broadcast_in_dim3A_292 = vector.broadcast %jit3A_291 : f32 to vector<256x32xf32>
    %select_n3A_293 = arith.select %eq3A_290, %gather3A_287, %broadcast_in_dim3A_292 : vector<256x32xi1>, vector<256x32xf32>
    %add3A_294 = arith.addf %add3A_276, %select_n3A_293 : vector<256x32xf32>
    %slice3A_295 = vector.extract_strided_slice %exp3A {offsets = [0, 1792], sizes = [256, 128], strides = [1, 1]} : vector<256x2048xf32> to vector<256x128xf32>
    %lt3A_296 = arith.constant 0 : i32
    %lt3A_297 = vector.broadcast %lt3A_296 : i32 to vector<256x32xi32>
    %lt3A_298 = arith.cmpi slt, %rem3A_43, %lt3A_297 : vector<256x32xi32>
    %add3A_299 = arith.constant 128 : i32
    %add3A_300 = vector.broadcast %add3A_299 : i32 to vector<256x32xi32>
    %add3A_301 = arith.addi %rem3A_43, %add3A_300 : vector<256x32xi32>
    %select_n3A_302 = arith.select %lt3A_298, %add3A_301, %rem3A_43 : vector<256x32xi1>, vector<256x32xi32>
    %reshape3A_303 = vector.shape_cast %select_n3A_302 : vector<256x32xi32> to vector<256x32x1xi32>
    %gather3A_304 = vector.shape_cast %reshape3A_303 : vector<256x32x1xi32> to vector<256x32xi32>
    %gather3A_305 = tpu.dynamic_gather %slice3A_295[%gather3A_304] in [1] : vector<256x128xf32>, vector<256x32xi32> -> vector<256x32xf32>
    %eq3A_306 = arith.constant 14 : i32
    %eq3A_307 = vector.broadcast %eq3A_306 : i32 to vector<256x32xi32>
    %eq3A_308 = arith.cmpi eq, %div3A_46, %eq3A_307 : vector<256x32xi32>
    %jit3A_309 = arith.constant 0.000000e+00 : f32
    %broadcast_in_dim3A_310 = vector.broadcast %jit3A_309 : f32 to vector<256x32xf32>
    %select_n3A_311 = arith.select %eq3A_308, %gather3A_305, %broadcast_in_dim3A_310 : vector<256x32xi1>, vector<256x32xf32>
    %add3A_312 = arith.addf %add3A_294, %select_n3A_311 : vector<256x32xf32>
    %slice3A_313 = vector.extract_strided_slice %exp3A {offsets = [0, 1920], sizes = [256, 128], strides = [1, 1]} : vector<256x2048xf32> to vector<256x128xf32>
    %lt3A_314 = arith.constant 0 : i32
    %lt3A_315 = vector.broadcast %lt3A_314 : i32 to vector<256x32xi32>
    %lt3A_316 = arith.cmpi slt, %rem3A_43, %lt3A_315 : vector<256x32xi32>
    %add3A_317 = arith.constant 128 : i32
    %add3A_318 = vector.broadcast %add3A_317 : i32 to vector<256x32xi32>
    %add3A_319 = arith.addi %rem3A_43, %add3A_318 : vector<256x32xi32>
    %select_n3A_320 = arith.select %lt3A_316, %add3A_319, %rem3A_43 : vector<256x32xi1>, vector<256x32xi32>
    %reshape3A_321 = vector.shape_cast %select_n3A_320 : vector<256x32xi32> to vector<256x32x1xi32>
    %gather3A_322 = vector.shape_cast %reshape3A_321 : vector<256x32x1xi32> to vector<256x32xi32>
    %gather3A_323 = tpu.dynamic_gather %slice3A_313[%gather3A_322] in [1] : vector<256x128xf32>, vector<256x32xi32> -> vector<256x32xf32>
    %eq3A_324 = arith.constant 15 : i32
    %eq3A_325 = vector.broadcast %eq3A_324 : i32 to vector<256x32xi32>
    %eq3A_326 = arith.cmpi eq, %div3A_46, %eq3A_325 : vector<256x32xi32>
    %jit3A_327 = arith.constant 0.000000e+00 : f32
    %broadcast_in_dim3A_328 = vector.broadcast %jit3A_327 : f32 to vector<256x32xf32>
    %select_n3A_329 = arith.select %eq3A_326, %gather3A_323, %broadcast_in_dim3A_328 : vector<256x32xi1>, vector<256x32xf32>
    %add3A_330 = arith.addf %add3A_312, %select_n3A_329 : vector<256x32xf32>
    %get3A_331 = arith.constant 0 : index
    %get3A_332 = arith.constant 0 : index
    %get3A_333 = vector.load %arg10[%get3A_331, %get3A_332] : memref<256x32xf32, #tpu.memory_space<vmem>>, vector<256x32xf32>
    %mul3A_334 = arith.constant 6.250000e-02 : f32
    %mul3A_335 = vector.broadcast %mul3A_334 : f32 to vector<256x1xf32>
    %mul3A_336 = arith.mulf %div3A_17, %mul3A_335 : vector<256x1xf32>
    %mul3A_337 = vector.broadcast %mul3A_336 : vector<256x1xf32> to vector<256x32xf32>
    %mul3A_338 = arith.mulf %add3A_330, %mul3A_337 : vector<256x32xf32>
    %add3A_339 = arith.addf %get3A_333, %mul3A_338 : vector<256x32xf32>
    %swap3A_340 = arith.constant 0 : index
    %swap3A_341 = arith.constant 0 : index
    %swap3A_342 = vector.load %arg10[%swap3A_340, %swap3A_341] : memref<256x32xf32, #tpu.memory_space<vmem>>, vector<256x32xf32>
    tpu.vector_store %arg10[%swap3A_340, %swap3A_341], %add3A_339 {strides = array<i32>} : memref<256x32xf32, #tpu.memory_space<vmem>>, vector<256x32xf32>,
    return
  }
  func.func @transform_0(%arg0: i32, %arg1: i32) -> (i32, i32, i32) {
    %c0_i32 = arith.constant 0 : i32
    %c0_i32_0 = arith.constant 0 : i32
    return %arg1, %arg0, %c0_i32 : i32, i32, i32
  }
  func.func @transform_1(%arg0: i32, %arg1: i32) -> (i32, i32, i32) {
    %c1_i32 = arith.constant 1 : i32
    %c0_i32 = arith.constant 0 : i32
    %c0_i32_0 = arith.constant 0 : i32
    return %arg1, %c1_i32, %c0_i32 : i32, i32, i32
  }
  func.func @transform_2(%arg0: i32, %arg1: i32) -> (i32, i32, i32) {
    %c2_i32 = arith.constant 2 : i32
    %c0_i32 = arith.constant 0 : i32
    %c0_i32_0 = arith.constant 0 : i32
    return %arg1, %c2_i32, %c0_i32 : i32, i32, i32
  }
  func.func @transform_3(%arg0: i32, %arg1: i32) -> (i32, i32) {
    %c0_i32 = arith.constant 0 : i32
    %c0_i32_0 = arith.constant 0 : i32
    return %arg0, %c0_i32 : i32, i32
  }
  func.func @transform_4(%arg0: i32, %arg1: i32) -> (i32, i32) {
    %c0_i32 = arith.constant 0 : i32
    %c0_i32_0 = arith.constant 0 : i32
    return %arg0, %c0_i32 : i32, i32
  }
  func.func @transform_5(%arg0: i32, %arg1: i32) -> (i32, i32, i32) {
    %c0_i32 = arith.constant 0 : i32
    %c0_i32_0 = arith.constant 0 : i32
    %c0_i32_1 = arith.constant 0 : i32
    return %arg1, %c0_i32, %c0_i32_0 : i32, i32, i32
  }
  func.func @transform_6(%arg0: i32, %arg1: i32) -> (i32, i32) {
    %c0_i32 = arith.constant 0 : i32
    %c0_i32_0 = arith.constant 0 : i32
    %c0_i32_1 = arith.constant 0 : i32
    return %c0_i32, %c0_i32_0 : i32, i32
  }
  func.func @transform_7(%arg0: i32, %arg1: i32) -> (i32, i32) {
    %c0_i32 = arith.constant 0 : i32
    %c0_i32_0 = arith.constant 0 : i32
    return %arg0, %c0_i32 : i32, i32
  }
  func.func @transform_8(%arg0: i32, %arg1: i32) -> (i32, i32) {
    %c0_i32 = arith.constant 0 : i32
    %c0_i32_0 = arith.constant 0 : i32
    return %arg0, %c0_i32 : i32, i32
  }
}

</mosaic_0001>

<sc_bundles>
// kernel: kernel.5.cloned.1.call-start
scs
__scs_entry_jumppad:
0x0: {  	(pc) =	sbr.rel $0x88, $3  }
0x1: {  	(tag) =	ssettag $0x0;
	lr =	simm.s32 $0x1  }
0x2: {  	[smem:$0x3F99] =	sst lr;
	_ =	strace $0xD0000000  }
0x3: {  	_ = 	snop  }
0x4: {  	_ = 	snop  }
0x5: {  	_ = 	snop  }
0x6: {  	_ = 	snop  }
0x7: {  	_ = 	snop  }
__scs_overlays_trampoline_lowered:
0x8: {  	[smem:$0x3FA8] =	sst s0  }
0x9: {  	[smem:$0x3FA9] =	sst s1  }
0xa: {  	[smem:$0x3FAA] =	sst s2  }
0xb: {  	[smem:$0x3FAB] =	sst s3  }
0xc: {  	[smem:$0x3FAC] =	sst s4  }
0xd: {  	[smem:$0x3FAD] =	sst s5  }
0xe: {  	[smem:$0x3FAE] =	sst s6  }
0xf: {  	[smem:$0x3FAF] =	sst s7  }
0x10: {  	[smem:$0x3FB0] =	sst s8  }
0x11: {  	[smem:$0x3FB1] =	sst s9;
	s0 =	simm.s32 @!p0 $0x0  }
0x12: {  	s1 =	sld [smem:$0x3F97];
	s0 =	simm.s32 @p0 $0x1  }
0x13: {  	[smem:$0x3FB2] =	sst s0;
	s0 =	simm.s32 @!p1 $0x0  }
0x14: {  	s2 =	sld [smem:$0x3F96];
	s0 =	simm.s32 @p1 $0x1  }
0x15: {  	[smem:$0x3FB3] =	sst s0;
	s0 =	simm.s32 @!p2 $0x0  }
0x16: {  	s3 =	sld [smem:$0x3FDB];
	s0 =	simm.s32 @p2 $0x1  }
0x17: {  	s4 =	simm.s32 $0x1BF5;
	[smem:$0x3FB5] =	sst s0  }
0x18: {  	s0 =	sld [smem:$0x3F98];
	_ =	swait.ge [sflag:s4], $0x0  }
0x19: {  	s7 =	sld [smem:$0x3F99]  }
0x1a: {  	s8 =	sadd.s32 $0xFFFFE003, lr  }
0x1b: {  	s9 =	sadd.s32 $0xFFFFFEF7, lr;
	s5 =	simm.s32 $0xFFFFFFFF;
	p2 =	slt.u32 s8, $0xFFFFF086  }
0x1c: {  	p1 =	slt.u32 s9, $0xF7A;
	s5 =	simm.s32 @!p2 $0x0  }
0x1d: {  	s5 =	simm.s32 @p1 $0x1;
	p0 =	seq.s32 s7, s2  }
0x1e: {  	s7 =	smul.u32 @!p0 $0xF7A, s2;
	p2 =	seq.s32 @!p0 s5, $0x0  }
0x1f: {  	s9 =	smul.u32 $0xF7A, s1;
	s8 =	simm.s32 @!p0 $0x1BF5;
	p2 =	por !p2, p0  }
0x20: {  	[sflag:s8] =	ssyncset.s32 @!p0 $0xFFFFF086;
	s6 =	sadd.s32 @!p0 s3, s7;
	s7 =	simm.s32 @!p0 $0x108  }
0x21: {  	s3 =	sadd.s32 s3, s9;
	s6 =	sadd.s32 @!p0 $0x88, s6;
	s7 =	simm.s32 @p2 $0x1082  }
0x22: {  	[simem:s7], [sflag:s8] =	dma.local @!p0 [hbm:s6], $0xF7A  }
0x23: {  	s9 =	sor.u32 $0xD0000000, s2;
	s6 =	simm.s32 $0x108;
	_ =	swait.ge @!p0 [sflag:s8], $0x0  }
0x24: {  	s3 =	sadd.s32 $0x88, s3;
	s6 =	simm.s32 @!p1 $0x1082;
	[sflag:s4] =	ssyncset.s32 $0xFFFFF086  }
0x25: {  	[simem:s6], [sflag:s4] =	dma.local [hbm:s3], $0xF7A  }
0x26: {  	[smem:$0x3F99] =	sst s1;
	(tag) =	ssettag s2;
	_ =	strace s9  }
0x27: {  	s1 =	sld [smem:$0x3FA9]  }
0x28: {  	s2 =	sld [smem:$0x3FAA]  }
0x29: {  	s4 =	sld [smem:$0x3FAC]  }
0x2a: {  	p0 =	seq.s32 s5, $0x0;
	s5 =	sld [smem:$0x3FAD]  }
0x2b: {  	s6 =	sld [smem:$0x3FAE]  }
0x2c: {  	s7 =	sld [smem:$0x3FAF]  }
0x2d: {  	s3 =	simm.s32 $0x108;
	s8 =	sld [smem:$0x3FB0]  }
0x2e: {  	s3 =	simm.s32 @!p0 $0x1082;
	s9 =	sld [smem:$0x3FB1]  }
0x2f: {  	lr =	sadd.s32 s0, s3;
	s0 =	sld [smem:$0x3FA8]  }
0x30: {  	s3 =	sld [smem:$0x3FAB]  }
0x31: {  	[smem:$0x3FB4] =	sst s10  }
0x32: {  	s10 =	sld [smem:$0x3FB2];
	_ =	sdelay $0x3  }
0x33: {  	p0 =	seq.s32 s10, $0x1;
	s10 =	sld [smem:$0x3FB4];
	_ =	sdelay $0x3  }
0x34: {  	[smem:$0x3FB4] =	sst s10  }
0x35: {  	s10 =	sld [smem:$0x3FB3];
	_ =	sdelay $0x3  }
0x36: {  	p1 =	seq.s32 s10, $0x1;
	s10 =	sld [smem:$0x3FB4];
	_ =	sdelay $0x3  }
0x37: {  	[smem:$0x3FB4] =	sst s10  }
0x38: {  	s10 =	sld [smem:$0x3FB5]  }
0x39: {  	_ = 	snop;
	(pc) =	sbr.ind lr, $3  }
0x3a: {  	_ = 	snop  }
0x3b: {  	_ = 	snop  }
0x3c: {  	p2 =	seq.s32 s10, $0x1;
	s10 =	sld [smem:$0x3FB4]  }
0x3d: {  	_ =	shalt  }
0x3e: {  	_ =	shalt  }
0x3f: {  	_ =	shalt  }
0x40: {  	_ =	shalt  }
0x41: {  	_ =	shalt  }
0x42: {  	_ =	shalt  }
0x43: {  	_ =	shalt  }
0x44: {  	_ =	shalt  }
0x45: {  	_ =	shalt  }
0x46: {  	_ =	shalt  }
0x47: {  	_ =	shalt  }
0x48: {  	_ =	shalt  }
0x49: {  	_ =	shalt  }
0x4a: {  	_ =	shalt  }
0x4b: {  	_ =	shalt  }
0x4c: {  	_ =	shalt  }
0x4d: {  	_ =	shalt  }
0x4e: {  	_ =	shalt  }
0x4f: {  	_ =	shalt  }
0x50: {  	_ =	shalt  }
0x51: {  	_ =	shalt  }
0x52: {  	_ =	shalt  }
0x53: {  	_ =	shalt  }
0x54: {  	_ =	shalt  }
0x55: {  	_ =	shalt  }
0x56: {  	_ =	shalt  }
0x57: {  	_ =	shalt  }
0x58: {  	_ =	shalt  }
0x59: {  	_ =	shalt  }
0x5a: {  	_ =	shalt  }
0x5b: {  	_ =	shalt  }
0x5c: {  	_ =	shalt  }
0x5d: {  	_ =	shalt  }
0x5e: {  	_ =	shalt  }
0x5f: {  	_ =	shalt  }
0x60: {  	_ =	shalt  }
0x61: {  	_ =	shalt  }
0x62: {  	_ =	shalt  }
0x63: {  	_ =	shalt  }
0x64: {  	_ =	shalt  }
0x65: {  	_ =	shalt  }
0x66: {  	_ =	shalt  }
0x67: {  	_ =	shalt  }
0x68: {  	_ =	shalt  }
0x69: {  	_ =	shalt  }
0x6a: {  	_ =	shalt  }
0x6b: {  	_ =	shalt  }
0x6c: {  	_ =	shalt  }
0x6d: {  	_ =	shalt  }
0x6e: {  	_ =	shalt  }
0x6f: {  	_ =	shalt  }
0x70: {  	_ =	shalt  }
0x71: {  	_ =	shalt  }
0x72: {  	_ =	shalt  }
0x73: {  	_ =	shalt  }
0x74: {  	_ =	shalt  }
0x75: {  	_ =	shalt  }
0x76: {  	_ =	shalt  }
0x77: {  	_ =	shalt  }
0x78: {  	_ =	shalt  }
0x79: {  	_ =	shalt  }
0x7a: {  	_ =	shalt  }
0x7b: {  	_ =	shalt  }
0x7c: {  	_ =	shalt  }
0x7d: {  	_ =	shalt  }
0x7e: {  	_ =	shalt  }
0x7f: {  	_ =	shalt  }
0x80: {  	_ =	shalt  }
0x81: {  	_ =	shalt  }
0x82: {  	_ =	shalt  }
0x83: {  	_ =	shalt  }
0x84: {  	_ =	shalt  }
0x85: {  	_ =	shalt  }
0x86: {  	_ =	shalt  }
0x87: {  	_ =	shalt  }
.Lfunc_end0:
.L_simem_size_0:
called_computation_lowered:
.L_overlay_start_0:
0x88: {  	s2 =	sld [smem:$0x3FD9]  }
0x89: {  	s3 =	sld [smem:$0x3FFE];
	_ =	sdelay $0x1  }
0x8a: {  	s1 =	srdreg.scid  }
0x8b: {  	s0 =	sand.u32 $0x1, s1  }
0x8c: {  	s14 =	sshll.u32 s0, $0xA;
	s2 =	sadd.s32 s3, s2  }
0x8d: {  	s2 =	sadd.s32 s2, s14  }
0x8e: {  	[smem:$0x3FC0] =	sst s2  }
0x8f: {  	_ = 	snop  }
0x90: {  	s2 =	sld [smem:$0x3FD0];
	_ =	sdelay $0x2  }
0x91: {  	s15 =	simm.s32 $0xA;
	s4 =	simm.s32 $0x10  }
0x92: {  	[smem:s4], [sflag:s15] =	dma.local [hbm:s2], $0x1  }
0x93: {  	_ =	swait.eq [sflag:s15], $0x1  }
0x94: {  	[sflag:s15] =	ssyncset.done $0x0  }
0x95: {  	[sflag:s15] =	ssyncadd.s32 $0xFFFFFFFF  }
0x96: {  	s16 =	sld [smem:$0x11];
	(tm) =	ssettm $0x1  }
0x97: {  	s17 =	sld [smem:$0x3FFB];
	_ =	sdelay $0x3  }
0x98: {  	_ =	strace s17  }
0x99: {  	s3 =	sld [smem:$0x3FFC];
	_ =	sdelay $0x3  }
0x9a: {  	_ =	strace s3  }
0x9b: {  	s3 =	sld [smem:$0x3FFD];
	_ =	sdelay $0x3  }
0x9c: {  	_ =	strace s3  }
0x9d: {  	_ =	strace $0x8FFFFFFF  }
0x9e: {  	s18 =	sld [smem:$0x3FDB];
	_ =	sdelay $0x1  }
0x9f: {  	s19 =	simm.s32 $_scs_section_size  }
0xa0: {  	s5 =	simm.s32 $_size__tile_overlayer_lowered;
	s6 =	simm.s32 $_tile_overlayer_lowered  }
0xa1: {  	s22 =	simm.s32 $0x1BFF;
	s21 =	sshll.u32 s6, $0x1;
	s3 =	sadd.s32 s19, s18  }
0xa2: {  	s7 =	simm.s32 $0x0;
	s20 =	sshll.u32 s5, $0x1;
	s5 =	sadd.s32 s21, s3  }
0xa3: {  	[timem:s7], [sflag:s22] =	dma.local [hbm:s5], s20  }
0xa4: {  	_ =	swait.ge [sflag:s22], s20  }
0xa5: {  	s4 =	ssub.s32 $0x0, s20;
	[sflag:s22] =	ssyncset.done $0x0  }
0xa6: {  	[sflag:s22] =	ssyncadd.s32 s4;
	_ =	sdelay $0x1  }
0xa7: {  	s23 =	simm.s32 $0x1B8B  }
0xa8: {  	_ =	swait.ge [sflag:s23], $0x1  }
0xa9: {  	[sflag:s23] =	ssyncset.done $0x0  }
0xaa: {  	s25 =	simm.s32 $0x1B8E;
	s24 =	sld [smem:$0x3FFE];
	[sflag:s23] =	ssyncadd.s32 $0xFFFFFFFF  }
0xab: {  	s26 =	simm.s32 $execute0_lowered;
	[smem:$0x3FD2] =	sst s25  }
0xac: {  	s5 =	sshll.u32 s26, $0x1;
	_ =	strace $0x80000046;
	[dreg:$0x1] =	wrdreg $0xFFFFFFFF  }
0xad: {  	s28 =	simm.s32 $_size_execute0_lowered;
	s3 =	sadd.s32 s3, s5;
	[dreg:$0x0] =	wrdreg $0x0  }
0xae: {  	s5 =	sshll.u32 s28, $0x1;
	[dreg:$0x2] =	wrdreg s3  }
0xaf: {  	[dreg:$0x3] =	wrdreg s5  }
0xb0: {  	[dreg:$0x4] =	wrdreg $0xC0  }
0xb1: {  	_ =	task [dreg:s7], $0x5FFFF  }
0xb2: {  	[dreg:$0x1] =	wrdreg $0xFFFFFFFF  }
0xb3: {  	[dreg:$0x0] =	wrdreg $0x60  }
0xb4: {  	[dreg:$0x2] =	wrdreg s24  }
0xb5: {  	[dreg:$0x3] =	wrdreg s16  }
0xb6: {  	[dreg:$0x4] =	wrdreg $0x9  }
0xb7: {  	_ =	task.clear_ibuf [dreg:s7], $0x5FFFF;
	_ =	strace $0x90000046  }
0xb8: {  	s29 =	simm.s32 $0x9;
	_ =	strace $0x80000048  }
0xb9: {  	_ =	swait.ge [sflag:s29], $0x1  }
0xba: {  	[sflag:s29] =	ssyncadd.s32 $0xFFFFFFFF  }
0xbb: {  	_ =	strace $0x90000048  }
0xbc: {  	_ =	sfence  }
0xbd: {  	s30 =	sld [smem:$0x0];
	_ =	sdelay $0x2  }
0xbe: {  	s31 =	sshll.u32 s1, $0xD;
	s1 =	sshrl.u32 s1, $0x2  }
0xbf: {  	s3 =	sand.u32 $0x4000, s31;
	s1 =	sadd.s32 s1, s30  }
0xc0: {  	s0 =	sor.u32 s3, s0;
	s1 =	sshll.u32 s1, $0x11  }
0xc1: {  	s0 =	sor.u32 s1, s0  }
0xc2: {  	s0 =	sadd.s32 $0x8F2B, s0  }
0xc3: {  	[sflag:s0] =	ssyncadd.remote.s32 $0x1  }
0xc4: {  	_ =	sfence.sel $0xFFFF  }
0xc5: {  	[dreg:$0x0] =	wrdreg $0xFFFFFFFF;
	(pc) =	sbr.abs _section_cstart, $3  }
0xc6: {  	[dreg:$0x1] =	wrdreg $0xFFFFFFFF  }
0xc7: {  	_ =	task.clear_ibuf [dreg:s7], $0x2FFFF;
	_ =	strace $0x9FFFFFFF  }
0xc8: {  	(tm) =	ssettm $0x7FFFFFFF  }
0xc9: {  	_ =	shalt  }
tec
execute0_lowered:
.L_overlay_start_1:
0x0: {  	(tag) =	ssettag $0x1  }
0x1: {  	s4 =	rddreg [dreg:$0x0]  }
0x2: {  	s2 =	rddreg [dreg:$0x1]  }
0x3: {  	s0 =	rddreg [dreg:$0x2]  }
0x4: {  	s3 =	simm.s32 $0x0;
	s5 =	srdreg.scid;
	s1 =	stileid.u32  }
0x5: {  	[smem:$0x7FF] =	sst s3;
	s5 =	sand.u32 $0x1, s5;
	s6 =	sshll.u32 s1, $0x1  }
0x6: {  	s9 =	simm.s32 $0x1000;
	_ =	strace $0x80000047;
	s6 =	sor.u32 s5, s6  }
0x7: {  	v0 =	vlaneseq.u32;
	s5 =	ssub.s32 $0x2, s5;
	s7 =	sshll.u32 s6, $0x9;
	s6 =	sshll.u32 s6, $0xE  }
0x8: {  	v0 =	vmul.u32 $0x800, v0;
	s8 =	sshrl.u32 s5, $0x1;
	s7 =	sadd.s32 s7, s4;
	s6 =	sadd.s32 s6, s4  }
0x9: {  	s8 =	ssub.s32 s5, s8;
	s4 =	sadd.s32 $0x3400, s7;
	s5 =	sadd.s32 $0x7400, s6  }
0xa: {  	v1 =	vimm.f32 $1.000000000e+00;
	v2 =	vor.u32 $0x8000, v0;
	s6 =	sadd.s32 $0x9400, s6;
	s7 =	smax.u32 s8, $0x1;
	s8 =	simm.s32 $0x1  }
.LBB2_1:
0xb: {  	[tilespmem:s3], [sflag:$0x1] =	stream.linear.gather [hbm4b:s4+s3], $0x1000, $0x38;
	[tilespmem:$0x11000] =	vst v63  }
0xc: {  	_ =	swait.ge [sflag:s8], $0x1000  }
0xd: {  	[sflag:s8] =	ssyncset.done $0x0  }
0xe: {  	[sflag:s8] =	ssyncadd.s32 $0xFFFFF000  }
0xf: {  	[tilespmem:s9], [sflag:$0x1] =	stream.linear.gather [hbm4b:s2+s3], $0x10000, $0x38;
	[tilespmem:$0x11000] =	vst v63  }
0x10: {  	_ =	swait.ge [sflag:s8], $0x10000  }
0x11: {  	[sflag:s8] =	ssyncset.done $0x0  }
0x12: {  	[sflag:s8] =	ssyncadd.s32 $0xFFFF0000  }
0x13: {  	v3 =	vld [tilespmem:$0x0];
	_ =	sdelay $0x4  }
0x14: {  	v3 =	vadd.s32 v0, v3;
	_ =	sdelay $0x4  }
0x15: {  	[tilespmem:v3+s9+$0x0] =	vst.idx.add.f32.msk $0xffff, v1  }
0x16: {  	v3 =	vld [tilespmem:$0x80];
	_ =	sdelay $0x4  }
0x17: {  	v3 =	vadd.s32 v0, v3;
	_ =	sdelay $0x4  }
0x18: {  	[tilespmem:v3+s9+$0x0] =	vst.idx.add.f32.msk $0xffff, v1  }
0x19: {  	v3 =	vld [tilespmem:$0x100];
	_ =	sdelay $0x4  }
0x1a: {  	v3 =	vadd.s32 v0, v3;
	_ =	sdelay $0x4  }
0x1b: {  	[tilespmem:v3+s9+$0x0] =	vst.idx.add.f32.msk $0xffff, v1  }
0x1c: {  	v3 =	vld [tilespmem:$0x180];
	_ =	sdelay $0x4  }
0x1d: {  	v3 =	vadd.s32 v0, v3;
	_ =	sdelay $0x4  }
0x1e: {  	[tilespmem:v3+s9+$0x0] =	vst.idx.add.f32.msk $0xffff, v1  }
0x1f: {  	v3 =	vld [tilespmem:$0x200];
	_ =	sdelay $0x4  }
0x20: {  	v3 =	vadd.s32 v0, v3;
	_ =	sdelay $0x4  }
0x21: {  	[tilespmem:v3+s9+$0x0] =	vst.idx.add.f32.msk $0xffff, v1  }
0x22: {  	v3 =	vld [tilespmem:$0x280];
	_ =	sdelay $0x4  }
0x23: {  	v3 =	vadd.s32 v0, v3;
	_ =	sdelay $0x4  }
0x24: {  	[tilespmem:v3+s9+$0x0] =	vst.idx.add.f32.msk $0xffff, v1  }
0x25: {  	v3 =	vld [tilespmem:$0x300];
	_ =	sdelay $0x4  }
0x26: {  	v3 =	vadd.s32 v0, v3;
	_ =	sdelay $0x4  }
0x27: {  	[tilespmem:v3+s9+$0x0] =	vst.idx.add.f32.msk $0xffff, v1  }
0x28: {  	v3 =	vld [tilespmem:$0x380];
	_ =	sdelay $0x4  }
0x29: {  	v3 =	vadd.s32 v0, v3;
	_ =	sdelay $0x4  }
0x2a: {  	[tilespmem:v3+s9+$0x0] =	vst.idx.add.f32.msk $0xffff, v1  }
0x2b: {  	v3 =	vld [tilespmem:$0x400];
	_ =	sdelay $0x4  }
0x2c: {  	v3 =	vadd.s32 v0, v3;
	_ =	sdelay $0x4  }
0x2d: {  	[tilespmem:v3+s9+$0x0] =	vst.idx.add.f32.msk $0xffff, v1  }
0x2e: {  	v3 =	vld [tilespmem:$0x480];
	_ =	sdelay $0x4  }
0x2f: {  	v3 =	vadd.s32 v0, v3;
	_ =	sdelay $0x4  }
0x30: {  	[tilespmem:v3+s9+$0x0] =	vst.idx.add.f32.msk $0xffff, v1  }
0x31: {  	v3 =	vld [tilespmem:$0x500];
	_ =	sdelay $0x4  }
0x32: {  	v3 =	vadd.s32 v0, v3;
	_ =	sdelay $0x4  }
0x33: {  	[tilespmem:v3+s9+$0x0] =	vst.idx.add.f32.msk $0xffff, v1  }
0x34: {  	v3 =	vld [tilespmem:$0x580];
	_ =	sdelay $0x4  }
0x35: {  	v3 =	vadd.s32 v0, v3;
	_ =	sdelay $0x4  }
0x36: {  	[tilespmem:v3+s9+$0x0] =	vst.idx.add.f32.msk $0xffff, v1  }
0x37: {  	v3 =	vld [tilespmem:$0x600];
	_ =	sdelay $0x4  }
0x38: {  	v3 =	vadd.s32 v0, v3;
	_ =	sdelay $0x4  }
0x39: {  	[tilespmem:v3+s9+$0x0] =	vst.idx.add.f32.msk $0xffff, v1  }
0x3a: {  	v3 =	vld [tilespmem:$0x680];
	_ =	sdelay $0x4  }
0x3b: {  	v3 =	vadd.s32 v0, v3;
	_ =	sdelay $0x4  }
0x3c: {  	[tilespmem:v3+s9+$0x0] =	vst.idx.add.f32.msk $0xffff, v1  }
0x3d: {  	v3 =	vld [tilespmem:$0x700];
	_ =	sdelay $0x4  }
0x3e: {  	v3 =	vadd.s32 v0, v3;
	_ =	sdelay $0x4  }
0x3f: {  	[tilespmem:v3+s9+$0x0] =	vst.idx.add.f32.msk $0xffff, v1  }
0x40: {  	v3 =	vld [tilespmem:$0x780];
	_ =	sdelay $0x4  }
0x41: {  	v3 =	vadd.s32 v0, v3;
	_ =	sdelay $0x4  }
0x42: {  	[tilespmem:v3+s9+$0x0] =	vst.idx.add.f32.msk $0xffff, v1  }
0x43: {  	v3 =	vld [tilespmem:$0x800];
	_ =	sdelay $0x4  }
0x44: {  	v3 =	vadd.s32 v0, v3;
	_ =	sdelay $0x4  }
0x45: {  	[tilespmem:v3+s9+$0x0] =	vst.idx.add.f32.msk $0xffff, v1  }
0x46: {  	v3 =	vld [tilespmem:$0x880];
	_ =	sdelay $0x4  }
0x47: {  	v3 =	vadd.s32 v0, v3;
	_ =	sdelay $0x4  }
0x48: {  	[tilespmem:v3+s9+$0x0] =	vst.idx.add.f32.msk $0xffff, v1  }
0x49: {  	v3 =	vld [tilespmem:$0x900];
	_ =	sdelay $0x4  }
0x4a: {  	v3 =	vadd.s32 v0, v3;
	_ =	sdelay $0x4  }
0x4b: {  	[tilespmem:v3+s9+$0x0] =	vst.idx.add.f32.msk $0xffff, v1  }
0x4c: {  	v3 =	vld [tilespmem:$0x980];
	_ =	sdelay $0x4  }
0x4d: {  	v3 =	vadd.s32 v0, v3;
	_ =	sdelay $0x4  }
0x4e: {  	[tilespmem:v3+s9+$0x0] =	vst.idx.add.f32.msk $0xffff, v1  }
0x4f: {  	v3 =	vld [tilespmem:$0xA00];
	_ =	sdelay $0x4  }
0x50: {  	v3 =	vadd.s32 v0, v3;
	_ =	sdelay $0x4  }
0x51: {  	[tilespmem:v3+s9+$0x0] =	vst.idx.add.f32.msk $0xffff, v1  }
0x52: {  	v3 =	vld [tilespmem:$0xA80];
	_ =	sdelay $0x4  }
0x53: {  	v3 =	vadd.s32 v0, v3;
	_ =	sdelay $0x4  }
0x54: {  	[tilespmem:v3+s9+$0x0] =	vst.idx.add.f32.msk $0xffff, v1  }
0x55: {  	v3 =	vld [tilespmem:$0xB00];
	_ =	sdelay $0x4  }
0x56: {  	v3 =	vadd.s32 v0, v3;
	_ =	sdelay $0x4  }
0x57: {  	[tilespmem:v3+s9+$0x0] =	vst.idx.add.f32.msk $0xffff, v1  }
0x58: {  	v3 =	vld [tilespmem:$0xB80];
	_ =	sdelay $0x4  }
0x59: {  	v3 =	vadd.s32 v0, v3;
	_ =	sdelay $0x4  }
0x5a: {  	[tilespmem:v3+s9+$0x0] =	vst.idx.add.f32.msk $0xffff, v1  }
0x5b: {  	v3 =	vld [tilespmem:$0xC00];
	_ =	sdelay $0x4  }
0x5c: {  	v3 =	vadd.s32 v0, v3;
	_ =	sdelay $0x4  }
0x5d: {  	[tilespmem:v3+s9+$0x0] =	vst.idx.add.f32.msk $0xffff, v1  }
0x5e: {  	v3 =	vld [tilespmem:$0xC80];
	_ =	sdelay $0x4  }
0x5f: {  	v3 =	vadd.s32 v0, v3;
	_ =	sdelay $0x4  }
0x60: {  	[tilespmem:v3+s9+$0x0] =	vst.idx.add.f32.msk $0xffff, v1  }
0x61: {  	v3 =	vld [tilespmem:$0xD00];
	_ =	sdelay $0x4  }
0x62: {  	v3 =	vadd.s32 v0, v3;
	_ =	sdelay $0x4  }
0x63: {  	[tilespmem:v3+s9+$0x0] =	vst.idx.add.f32.msk $0xffff, v1  }
0x64: {  	v3 =	vld [tilespmem:$0xD80];
	_ =	sdelay $0x4  }
0x65: {  	v3 =	vadd.s32 v0, v3;
	_ =	sdelay $0x4  }
0x66: {  	[tilespmem:v3+s9+$0x0] =	vst.idx.add.f32.msk $0xffff, v1  }
0x67: {  	v3 =	vld [tilespmem:$0xE00];
	_ =	sdelay $0x4  }
0x68: {  	v3 =	vadd.s32 v0, v3;
	_ =	sdelay $0x4  }
0x69: {  	[tilespmem:v3+s9+$0x0] =	vst.idx.add.f32.msk $0xffff, v1  }
0x6a: {  	v3 =	vld [tilespmem:$0xE80];
	_ =	sdelay $0x4  }
0x6b: {  	v3 =	vadd.s32 v0, v3;
	_ =	sdelay $0x4  }
0x6c: {  	[tilespmem:v3+s9+$0x0] =	vst.idx.add.f32.msk $0xffff, v1  }
0x6d: {  	v3 =	vld [tilespmem:$0xF00];
	_ =	sdelay $0x4  }
0x6e: {  	v3 =	vadd.s32 v0, v3;
	_ =	sdelay $0x4  }
0x6f: {  	[tilespmem:v3+s9+$0x0] =	vst.idx.add.f32.msk $0xffff, v1  }
0x70: {  	v3 =	vld [tilespmem:$0xF80];
	_ =	sdelay $0x4  }
0x71: {  	v3 =	vadd.s32 v0, v3;
	_ =	sdelay $0x4  }
0x72: {  	[tilespmem:v3+s9+$0x0] =	vst.idx.add.f32.msk $0xffff, v1  }
0x73: {  	v3 =	vld [tilespmem:$0x10];
	_ =	sdelay $0x4  }
0x74: {  	v3 =	vadd.s32 v2, v3;
	_ =	sdelay $0x4  }
0x75: {  	[tilespmem:v3+s9+$0x0] =	vst.idx.add.f32.msk $0xffff, v1  }
0x76: {  	v3 =	vld [tilespmem:$0x90];
	_ =	sdelay $0x4  }
0x77: {  	v3 =	vadd.s32 v2, v3;
	_ =	sdelay $0x4  }
0x78: {  	[tilespmem:v3+s9+$0x0] =	vst.idx.add.f32.msk $0xffff, v1  }
0x79: {  	v3 =	vld [tilespmem:$0x110];
	_ =	sdelay $0x4  }
0x7a: {  	v3 =	vadd.s32 v2, v3;
	_ =	sdelay $0x4  }
0x7b: {  	[tilespmem:v3+s9+$0x0] =	vst.idx.add.f32.msk $0xffff, v1  }
0x7c: {  	v3 =	vld [tilespmem:$0x190];
	_ =	sdelay $0x4  }
0x7d: {  	v3 =	vadd.s32 v2, v3;
	_ =	sdelay $0x4  }
0x7e: {  	[tilespmem:v3+s9+$0x0] =	vst.idx.add.f32.msk $0xffff, v1  }
0x7f: {  	v3 =	vld [tilespmem:$0x210];
	_ =	sdelay $0x4  }
0x80: {  	v3 =	vadd.s32 v2, v3;
	_ =	sdelay $0x4  }
0x81: {  	[tilespmem:v3+s9+$0x0] =	vst.idx.add.f32.msk $0xffff, v1  }
0x82: {  	v3 =	vld [tilespmem:$0x290];
	_ =	sdelay $0x4  }
0x83: {  	v3 =	vadd.s32 v2, v3;
	_ =	sdelay $0x4  }
0x84: {  	[tilespmem:v3+s9+$0x0] =	vst.idx.add.f32.msk $0xffff, v1  }
0x85: {  	v3 =	vld [tilespmem:$0x310];
	_ =	sdelay $0x4  }
0x86: {  	v3 =	vadd.s32 v2, v3;
	_ =	sdelay $0x4  }
0x87: {  	[tilespmem:v3+s9+$0x0] =	vst.idx.add.f32.msk $0xffff, v1  }
0x88: {  	v3 =	vld [tilespmem:$0x390];
	_ =	sdelay $0x4  }
0x89: {  	v3 =	vadd.s32 v2, v3;
	_ =	sdelay $0x4  }
0x8a: {  	[tilespmem:v3+s9+$0x0] =	vst.idx.add.f32.msk $0xffff, v1  }
0x8b: {  	v3 =	vld [tilespmem:$0x410];
	_ =	sdelay $0x4  }
0x8c: {  	v3 =	vadd.s32 v2, v3;
	_ =	sdelay $0x4  }
0x8d: {  	[tilespmem:v3+s9+$0x0] =	vst.idx.add.f32.msk $0xffff, v1  }
0x8e: {  	v3 =	vld [tilespmem:$0x490];
	_ =	sdelay $0x4  }
0x8f: {  	v3 =	vadd.s32 v2, v3;
	_ =	sdelay $0x4  }
0x90: {  	[tilespmem:v3+s9+$0x0] =	vst.idx.add.f32.msk $0xffff, v1  }
0x91: {  	v3 =	vld [tilespmem:$0x510];
	_ =	sdelay $0x4  }
0x92: {  	v3 =	vadd.s32 v2, v3;
	_ =	sdelay $0x4  }
0x93: {  	[tilespmem:v3+s9+$0x0] =	vst.idx.add.f32.msk $0xffff, v1  }
0x94: {  	v3 =	vld [tilespmem:$0x590];
	_ =	sdelay $0x4  }
0x95: {  	v3 =	vadd.s32 v2, v3;
	_ =	sdelay $0x4  }
0x96: {  	[tilespmem:v3+s9+$0x0] =	vst.idx.add.f32.msk $0xffff, v1  }
0x97: {  	v3 =	vld [tilespmem:$0x610];
	_ =	sdelay $0x4  }
0x98: {  	v3 =	vadd.s32 v2, v3;
	_ =	sdelay $0x4  }
0x99: {  	[tilespmem:v3+s9+$0x0] =	vst.idx.add.f32.msk $0xffff, v1  }
0x9a: {  	v3 =	vld [tilespmem:$0x690];
	_ =	sdelay $0x4  }
0x9b: {  	v3 =	vadd.s32 v2, v3;
	_ =	sdelay $0x4  }
0x9c: {  	[tilespmem:v3+s9+$0x0] =	vst.idx.add.f32.msk $0xffff, v1  }
0x9d: {  	v3 =	vld [tilespmem:$0x710];
	_ =	sdelay $0x4  }
0x9e: {  	v3 =	vadd.s32 v2, v3;
	_ =	sdelay $0x4  }
0x9f: {  	[tilespmem:v3+s9+$0x0] =	vst.idx.add.f32.msk $0xffff, v1  }
0xa0: {  	v3 =	vld [tilespmem:$0x790];
	_ =	sdelay $0x4  }
0xa1: {  	v3 =	vadd.s32 v2, v3;
	_ =	sdelay $0x4  }
0xa2: {  	[tilespmem:v3+s9+$0x0] =	vst.idx.add.f32.msk $0xffff, v1  }
0xa3: {  	v3 =	vld [tilespmem:$0x810];
	_ =	sdelay $0x4  }
0xa4: {  	v3 =	vadd.s32 v2, v3;
	_ =	sdelay $0x4  }
0xa5: {  	[tilespmem:v3+s9+$0x0] =	vst.idx.add.f32.msk $0xffff, v1  }
0xa6: {  	v3 =	vld [tilespmem:$0x890];
	_ =	sdelay $0x4  }
0xa7: {  	v3 =	vadd.s32 v2, v3;
	_ =	sdelay $0x4  }
0xa8: {  	[tilespmem:v3+s9+$0x0] =	vst.idx.add.f32.msk $0xffff, v1  }
0xa9: {  	v3 =	vld [tilespmem:$0x910];
	_ =	sdelay $0x4  }
0xaa: {  	v3 =	vadd.s32 v2, v3;
	_ =	sdelay $0x4  }
0xab: {  	[tilespmem:v3+s9+$0x0] =	vst.idx.add.f32.msk $0xffff, v1  }
0xac: {  	v3 =	vld [tilespmem:$0x990];
	_ =	sdelay $0x4  }
0xad: {  	v3 =	vadd.s32 v2, v3;
	_ =	sdelay $0x4  }
0xae: {  	[tilespmem:v3+s9+$0x0] =	vst.idx.add.f32.msk $0xffff, v1  }
0xaf: {  	v3 =	vld [tilespmem:$0xA10];
	_ =	sdelay $0x4  }
0xb0: {  	v3 =	vadd.s32 v2, v3;
	_ =	sdelay $0x4  }
0xb1: {  	[tilespmem:v3+s9+$0x0] =	vst.idx.add.f32.msk $0xffff, v1  }
0xb2: {  	v3 =	vld [tilespmem:$0xA90];
	_ =	sdelay $0x4  }
0xb3: {  	v3 =	vadd.s32 v2, v3;
	_ =	sdelay $0x4  }
0xb4: {  	[tilespmem:v3+s9+$0x0] =	vst.idx.add.f32.msk $0xffff, v1  }
0xb5: {  	v3 =	vld [tilespmem:$0xB10];
	_ =	sdelay $0x4  }
0xb6: {  	v3 =	vadd.s32 v2, v3;
	_ =	sdelay $0x4  }
0xb7: {  	[tilespmem:v3+s9+$0x0] =	vst.idx.add.f32.msk $0xffff, v1  }
0xb8: {  	v3 =	vld [tilespmem:$0xB90];
	_ =	sdelay $0x4  }
0xb9: {  	v3 =	vadd.s32 v2, v3;
	_ =	sdelay $0x4  }
0xba: {  	[tilespmem:v3+s9+$0x0] =	vst.idx.add.f32.msk $0xffff, v1  }
0xbb: {  	v3 =	vld [tilespmem:$0xC10];
	_ =	sdelay $0x4  }
0xbc: {  	v3 =	vadd.s32 v2, v3;
	_ =	sdelay $0x4  }
0xbd: {  	[tilespmem:v3+s9+$0x0] =	vst.idx.add.f32.msk $0xffff, v1  }
0xbe: {  	v3 =	vld [tilespmem:$0xC90];
	_ =	sdelay $0x4  }
0xbf: {  	v3 =	vadd.s32 v2, v3;
	_ =	sdelay $0x4  }
0xc0: {  	[tilespmem:v3+s9+$0x0] =	vst.idx.add.f32.msk $0xffff, v1  }
0xc1: {  	v3 =	vld [tilespmem:$0xD10];
	_ =	sdelay $0x4  }
0xc2: {  	v3 =	vadd.s32 v2, v3;
	_ =	sdelay $0x4  }
0xc3: {  	[tilespmem:v3+s9+$0x0] =	vst.idx.add.f32.msk $0xffff, v1  }
0xc4: {  	v3 =	vld [tilespmem:$0xD90];
	_ =	sdelay $0x4  }
0xc5: {  	v3 =	vadd.s32 v2, v3;
	_ =	sdelay $0x4  }
0xc6: {  	[tilespmem:v3+s9+$0x0] =	vst.idx.add.f32.msk $0xffff, v1  }
0xc7: {  	v3 =	vld [tilespmem:$0xE10];
	_ =	sdelay $0x4  }
0xc8: {  	v3 =	vadd.s32 v2, v3;
	_ =	sdelay $0x4  }
0xc9: {  	[tilespmem:v3+s9+$0x0] =	vst.idx.add.f32.msk $0xffff, v1  }
0xca: {  	v3 =	vld [tilespmem:$0xE90];
	_ =	sdelay $0x4  }
0xcb: {  	v3 =	vadd.s32 v2, v3;
	_ =	sdelay $0x4  }
0xcc: {  	[tilespmem:v3+s9+$0x0] =	vst.idx.add.f32.msk $0xffff, v1  }
0xcd: {  	v3 =	vld [tilespmem:$0xF10];
	_ =	sdelay $0x4  }
0xce: {  	v3 =	vadd.s32 v2, v3;
	_ =	sdelay $0x4  }
0xcf: {  	[tilespmem:v3+s9+$0x0] =	vst.idx.add.f32.msk $0xffff, v1  }
0xd0: {  	v3 =	vld [tilespmem:$0xF90];
	_ =	sdelay $0x4  }
0xd1: {  	v3 =	vadd.s32 v2, v3;
	_ =	sdelay $0x4  }
0xd2: {  	[tilespmem:v3+s9+$0x0] =	vst.idx.add.f32.msk $0xffff, v1  }
0xd3: {  	[hbm4b:s5+s3] =	stream.linear.scatter [tilespmem:s9], [sflag:$0x1], $0x10000, $0x38;
	[tilespmem:$0x11000] =	vst v63  }
0xd4: {  	_ =	swait.ge [sflag:s8], $0x10000  }
0xd5: {  	[sflag:s8] =	ssyncset.done $0x0  }
0xd6: {  	[sflag:s8] =	ssyncadd.s32 $0xFFFF0000  }
0xd7: {  	[tilespmem:s9], [sflag:$0x1] =	stream.linear.gather [hbm4b:s2+s3], $0x10000, $0x38;
	[tilespmem:$0x11000] =	vst v63  }
0xd8: {  	_ =	swait.ge [sflag:s8], $0x10000  }
0xd9: {  	[sflag:s8] =	ssyncset.done $0x0  }
0xda: {  	[sflag:s8] =	ssyncadd.s32 $0xFFFF0000  }
0xdb: {  	v3 =	vld [tilespmem:$0x20];
	_ =	sdelay $0x4  }
0xdc: {  	v3 =	vadd.s32 v0, v3;
	_ =	sdelay $0x4  }
0xdd: {  	[tilespmem:v3+s9+$0x0] =	vst.idx.add.f32.msk $0xffff, v1  }
0xde: {  	v3 =	vld [tilespmem:$0xA0];
	_ =	sdelay $0x4  }
0xdf: {  	v3 =	vadd.s32 v0, v3;
	_ =	sdelay $0x4  }
0xe0: {  	[tilespmem:v3+s9+$0x0] =	vst.idx.add.f32.msk $0xffff, v1  }
0xe1: {  	v3 =	vld [tilespmem:$0x120];
	_ =	sdelay $0x4  }
0xe2: {  	v3 =	vadd.s32 v0, v3;
	_ =	sdelay $0x4  }
0xe3: {  	[tilespmem:v3+s9+$0x0] =	vst.idx.add.f32.msk $0xffff, v1  }
0xe4: {  	v3 =	vld [tilespmem:$0x1A0];
	_ =	sdelay $0x4  }
0xe5: {  	v3 =	vadd.s32 v0, v3;
	_ =	sdelay $0x4  }
0xe6: {  	[tilespmem:v3+s9+$0x0] =	vst.idx.add.f32.msk $0xffff, v1  }
0xe7: {  	v3 =	vld [tilespmem:$0x220];
	_ =	sdelay $0x4  }
0xe8: {  	v3 =	vadd.s32 v0, v3;
	_ =	sdelay $0x4  }
0xe9: {  	[tilespmem:v3+s9+$0x0] =	vst.idx.add.f32.msk $0xffff, v1  }
0xea: {  	v3 =	vld [tilespmem:$0x2A0];
	_ =	sdelay $0x4  }
0xeb: {  	v3 =	vadd.s32 v0, v3;
	_ =	sdelay $0x4  }
0xec: {  	[tilespmem:v3+s9+$0x0] =	vst.idx.add.f32.msk $0xffff, v1  }
0xed: {  	v3 =	vld [tilespmem:$0x320];
	_ =	sdelay $0x4  }
0xee: {  	v3 =	vadd.s32 v0, v3;
	_ =	sdelay $0x4  }
0xef: {  	[tilespmem:v3+s9+$0x0] =	vst.idx.add.f32.msk $0xffff, v1  }
0xf0: {  	v3 =	vld [tilespmem:$0x3A0];
	_ =	sdelay $0x4  }
0xf1: {  	v3 =	vadd.s32 v0, v3;
	_ =	sdelay $0x4  }
0xf2: {  	[tilespmem:v3+s9+$0x0] =	vst.idx.add.f32.msk $0xffff, v1  }
0xf3: {  	v3 =	vld [tilespmem:$0x420];
	_ =	sdelay $0x4  }
0xf4: {  	v3 =	vadd.s32 v0, v3;
	_ =	sdelay $0x4  }
0xf5: {  	[tilespmem:v3+s9+$0x0] =	vst.idx.add.f32.msk $0xffff, v1  }
0xf6: {  	v3 =	vld [tilespmem:$0x4A0];
	_ =	sdelay $0x4  }
0xf7: {  	v3 =	vadd.s32 v0, v3;
	_ =	sdelay $0x4  }
0xf8: {  	[tilespmem:v3+s9+$0x0] =	vst.idx.add.f32.msk $0xffff, v1  }
0xf9: {  	v3 =	vld [tilespmem:$0x520];
	_ =	sdelay $0x4  }
0xfa: {  	v3 =	vadd.s32 v0, v3;
	_ =	sdelay $0x4  }
0xfb: {  	[tilespmem:v3+s9+$0x0] =	vst.idx.add.f32.msk $0xffff, v1  }
0xfc: {  	v3 =	vld [tilespmem:$0x5A0];
	_ =	sdelay $0x4  }
0xfd: {  	v3 =	vadd.s32 v0, v3;
	_ =	sdelay $0x4  }
0xfe: {  	[tilespmem:v3+s9+$0x0] =	vst.idx.add.f32.msk $0xffff, v1  }
0xff: {  	v3 =	vld [tilespmem:$0x620];
	_ =	sdelay $0x4  }
0x100: {  	v3 =	vadd.s32 v0, v3;
	_ =	sdelay $0x4  }
0x101: {  	[tilespmem:v3+s9+$0x0] =	vst.idx.add.f32.msk $0xffff, v1  }
0x102: {  	v3 =	vld [tilespmem:$0x6A0];
	_ =	sdelay $0x4  }
0x103: {  	v3 =	vadd.s32 v0, v3;
	_ =	sdelay $0x4  }
0x104: {  	[tilespmem:v3+s9+$0x0] =	vst.idx.add.f32.msk $0xffff, v1  }
0x105: {  	v3 =	vld [tilespmem:$0x720];
	_ =	sdelay $0x4  }
0x106: {  	v3 =	vadd.s32 v0, v3;
	_ =	sdelay $0x4  }
0x107: {  	[tilespmem:v3+s9+$0x0] =	vst.idx.add.f32.msk $0xffff, v1  }
0x108: {  	v3 =	vld [tilespmem:$0x7A0];
	_ =	sdelay $0x4  }
0x109: {  	v3 =	vadd.s32 v0, v3;
	_ =	sdelay $0x4  }
0x10a: {  	[tilespmem:v3+s9+$0x0] =	vst.idx.add.f32.msk $0xffff, v1  }
0x10b: {  	v3 =	vld [tilespmem:$0x820];
	_ =	sdelay $0x4  }
0x10c: {  	v3 =	vadd.s32 v0, v3;
	_ =	sdelay $0x4  }
0x10d: {  	[tilespmem:v3+s9+$0x0] =	vst.idx.add.f32.msk $0xffff, v1  }
0x10e: {  	v3 =	vld [tilespmem:$0x8A0];
	_ =	sdelay $0x4  }
0x10f: {  	v3 =	vadd.s32 v0, v3;
	_ =	sdelay $0x4  }
0x110: {  	[tilespmem:v3+s9+$0x0] =	vst.idx.add.f32.msk $0xffff, v1  }
0x111: {  	v3 =	vld [tilespmem:$0x920];
	_ =	sdelay $0x4  }
0x112: {  	v3 =	vadd.s32 v0, v3;
	_ =	sdelay $0x4  }
0x113: {  	[tilespmem:v3+s9+$0x0] =	vst.idx.add.f32.msk $0xffff, v1  }
0x114: {  	v3 =	vld [tilespmem:$0x9A0];
	_ =	sdelay $0x4  }
0x115: {  	v3 =	vadd.s32 v0, v3;
	_ =	sdelay $0x4  }
0x116: {  	[tilespmem:v3+s9+$0x0] =	vst.idx.add.f32.msk $0xffff, v1  }
0x117: {  	v3 =	vld [tilespmem:$0xA20];
	_ =	sdelay $0x4  }
0x118: {  	v3 =	vadd.s32 v0, v3;
	_ =	sdelay $0x4  }
0x119: {  	[tilespmem:v3+s9+$0x0] =	vst.idx.add.f32.msk $0xffff, v1  }
0x11a: {  	v3 =	vld [tilespmem:$0xAA0];
	_ =	sdelay $0x4  }
0x11b: {  	v3 =	vadd.s32 v0, v3;
	_ =	sdelay $0x4  }
0x11c: {  	[tilespmem:v3+s9+$0x0] =	vst.idx.add.f32.msk $0xffff, v1  }
0x11d: {  	v3 =	vld [tilespmem:$0xB20];
	_ =	sdelay $0x4  }
0x11e: {  	v3 =	vadd.s32 v0, v3;
	_ =	sdelay $0x4  }
0x11f: {  	[tilespmem:v3+s9+$0x0] =	vst.idx.add.f32.msk $0xffff, v1  }
0x120: {  	v3 =	vld [tilespmem:$0xBA0];
	_ =	sdelay $0x4  }
0x121: {  	v3 =	vadd.s32 v0, v3;
	_ =	sdelay $0x4  }
0x122: {  	[tilespmem:v3+s9+$0x0] =	vst.idx.add.f32.msk $0xffff, v1  }
0x123: {  	v3 =	vld [tilespmem:$0xC20];
	_ =	sdelay $0x4  }
0x124: {  	v3 =	vadd.s32 v0, v3;
	_ =	sdelay $0x4  }
0x125: {  	[tilespmem:v3+s9+$0x0] =	vst.idx.add.f32.msk $0xffff, v1  }
0x126: {  	v3 =	vld [tilespmem:$0xCA0];
	_ =	sdelay $0x4  }
0x127: {  	v3 =	vadd.s32 v0, v3;
	_ =	sdelay $0x4  }
0x128: {  	[tilespmem:v3+s9+$0x0] =	vst.idx.add.f32.msk $0xffff, v1  }
0x129: {  	v3 =	vld [tilespmem:$0xD20];
	_ =	sdelay $0x4  }
0x12a: {  	v3 =	vadd.s32 v0, v3;
	_ =	sdelay $0x4  }
0x12b: {  	[tilespmem:v3+s9+$0x0] =	vst.idx.add.f32.msk $0xffff, v1  }
0x12c: {  	v3 =	vld [tilespmem:$0xDA0];
	_ =	sdelay $0x4  }
0x12d: {  	v3 =	vadd.s32 v0, v3;
	_ =	sdelay $0x4  }
0x12e: {  	[tilespmem:v3+s9+$0x0] =	vst.idx.add.f32.msk $0xffff, v1  }
0x12f: {  	v3 =	vld [tilespmem:$0xE20];
	_ =	sdelay $0x4  }
0x130: {  	v3 =	vadd.s32 v0, v3;
	_ =	sdelay $0x4  }
0x131: {  	[tilespmem:v3+s9+$0x0] =	vst.idx.add.f32.msk $0xffff, v1  }
0x132: {  	v3 =	vld [tilespmem:$0xEA0];
	_ =	sdelay $0x4  }
0x133: {  	v3 =	vadd.s32 v0, v3;
	_ =	sdelay $0x4  }
0x134: {  	[tilespmem:v3+s9+$0x0] =	vst.idx.add.f32.msk $0xffff, v1  }
0x135: {  	v3 =	vld [tilespmem:$0xF20];
	_ =	sdelay $0x4  }
0x136: {  	v3 =	vadd.s32 v0, v3;
	_ =	sdelay $0x4  }
0x137: {  	[tilespmem:v3+s9+$0x0] =	vst.idx.add.f32.msk $0xffff, v1  }
0x138: {  	v3 =	vld [tilespmem:$0xFA0];
	_ =	sdelay $0x4  }
0x139: {  	v3 =	vadd.s32 v0, v3;
	_ =	sdelay $0x4  }
0x13a: {  	[tilespmem:v3+s9+$0x0] =	vst.idx.add.f32.msk $0xffff, v1  }
0x13b: {  	v3 =	vld [tilespmem:$0x30];
	_ =	sdelay $0x4  }
0x13c: {  	v3 =	vadd.s32 v2, v3;
	_ =	sdelay $0x4  }
0x13d: {  	[tilespmem:v3+s9+$0x0] =	vst.idx.add.f32.msk $0xffff, v1  }
0x13e: {  	v3 =	vld [tilespmem:$0xB0];
	_ =	sdelay $0x4  }
0x13f: {  	v3 =	vadd.s32 v2, v3;
	_ =	sdelay $0x4  }
0x140: {  	[tilespmem:v3+s9+$0x0] =	vst.idx.add.f32.msk $0xffff, v1  }
0x141: {  	v3 =	vld [tilespmem:$0x130];
	_ =	sdelay $0x4  }
0x142: {  	v3 =	vadd.s32 v2, v3;
	_ =	sdelay $0x4  }
0x143: {  	[tilespmem:v3+s9+$0x0] =	vst.idx.add.f32.msk $0xffff, v1  }
0x144: {  	v3 =	vld [tilespmem:$0x1B0];
	_ =	sdelay $0x4  }
0x145: {  	v3 =	vadd.s32 v2, v3;
	_ =	sdelay $0x4  }
0x146: {  	[tilespmem:v3+s9+$0x0] =	vst.idx.add.f32.msk $0xffff, v1  }
0x147: {  	v3 =	vld [tilespmem:$0x230];
	_ =	sdelay $0x4  }
0x148: {  	v3 =	vadd.s32 v2, v3;
	_ =	sdelay $0x4  }
0x149: {  	[tilespmem:v3+s9+$0x0] =	vst.idx.add.f32.msk $0xffff, v1  }
0x14a: {  	v3 =	vld [tilespmem:$0x2B0];
	_ =	sdelay $0x4  }
0x14b: {  	v3 =	vadd.s32 v2, v3;
	_ =	sdelay $0x4  }
0x14c: {  	[tilespmem:v3+s9+$0x0] =	vst.idx.add.f32.msk $0xffff, v1  }
0x14d: {  	v3 =	vld [tilespmem:$0x330];
	_ =	sdelay $0x4  }
0x14e: {  	v3 =	vadd.s32 v2, v3;
	_ =	sdelay $0x4  }
0x14f: {  	[tilespmem:v3+s9+$0x0] =	vst.idx.add.f32.msk $0xffff, v1  }
0x150: {  	v3 =	vld [tilespmem:$0x3B0];
	_ =	sdelay $0x4  }
0x151: {  	v3 =	vadd.s32 v2, v3;
	_ =	sdelay $0x4  }
0x152: {  	[tilespmem:v3+s9+$0x0] =	vst.idx.add.f32.msk $0xffff, v1  }
0x153: {  	v3 =	vld [tilespmem:$0x430];
	_ =	sdelay $0x4  }
0x154: {  	v3 =	vadd.s32 v2, v3;
	_ =	sdelay $0x4  }
0x155: {  	[tilespmem:v3+s9+$0x0] =	vst.idx.add.f32.msk $0xffff, v1  }
0x156: {  	v3 =	vld [tilespmem:$0x4B0];
	_ =	sdelay $0x4  }
0x157: {  	v3 =	vadd.s32 v2, v3;
	_ =	sdelay $0x4  }
0x158: {  	[tilespmem:v3+s9+$0x0] =	vst.idx.add.f32.msk $0xffff, v1  }
0x159: {  	v3 =	vld [tilespmem:$0x530];
	_ =	sdelay $0x4  }
0x15a: {  	v3 =	vadd.s32 v2, v3;
	_ =	sdelay $0x4  }
0x15b: {  	[tilespmem:v3+s9+$0x0] =	vst.idx.add.f32.msk $0xffff, v1  }
0x15c: {  	v3 =	vld [tilespmem:$0x5B0];
	_ =	sdelay $0x4  }
0x15d: {  	v3 =	vadd.s32 v2, v3;
	_ =	sdelay $0x4  }
0x15e: {  	[tilespmem:v3+s9+$0x0] =	vst.idx.add.f32.msk $0xffff, v1  }
0x15f: {  	v3 =	vld [tilespmem:$0x630];
	_ =	sdelay $0x4  }
0x160: {  	v3 =	vadd.s32 v2, v3;
	_ =	sdelay $0x4  }
0x161: {  	[tilespmem:v3+s9+$0x0] =	vst.idx.add.f32.msk $0xffff, v1  }
0x162: {  	v3 =	vld [tilespmem:$0x6B0];
	_ =	sdelay $0x4  }
0x163: {  	v3 =	vadd.s32 v2, v3;
	_ =	sdelay $0x4  }
0x164: {  	[tilespmem:v3+s9+$0x0] =	vst.idx.add.f32.msk $0xffff, v1  }
0x165: {  	v3 =	vld [tilespmem:$0x730];
	_ =	sdelay $0x4  }
0x166: {  	v3 =	vadd.s32 v2, v3;
	_ =	sdelay $0x4  }
0x167: {  	[tilespmem:v3+s9+$0x0] =	vst.idx.add.f32.msk $0xffff, v1  }
0x168: {  	v3 =	vld [tilespmem:$0x7B0];
	_ =	sdelay $0x4  }
0x169: {  	v3 =	vadd.s32 v2, v3;
	_ =	sdelay $0x4  }
0x16a: {  	[tilespmem:v3+s9+$0x0] =	vst.idx.add.f32.msk $0xffff, v1  }
0x16b: {  	v3 =	vld [tilespmem:$0x830];
	_ =	sdelay $0x4  }
0x16c: {  	v3 =	vadd.s32 v2, v3;
	_ =	sdelay $0x4  }
0x16d: {  	[tilespmem:v3+s9+$0x0] =	vst.idx.add.f32.msk $0xffff, v1  }
0x16e: {  	v3 =	vld [tilespmem:$0x8B0];
	_ =	sdelay $0x4  }
0x16f: {  	v3 =	vadd.s32 v2, v3;
	_ =	sdelay $0x4  }
0x170: {  	[tilespmem:v3+s9+$0x0] =	vst.idx.add.f32.msk $0xffff, v1  }
0x171: {  	v3 =	vld [tilespmem:$0x930];
	_ =	sdelay $0x4  }
0x172: {  	v3 =	vadd.s32 v2, v3;
	_ =	sdelay $0x4  }
0x173: {  	[tilespmem:v3+s9+$0x0] =	vst.idx.add.f32.msk $0xffff, v1  }
0x174: {  	v3 =	vld [tilespmem:$0x9B0];
	_ =	sdelay $0x4  }
0x175: {  	v3 =	vadd.s32 v2, v3;
	_ =	sdelay $0x4  }
0x176: {  	[tilespmem:v3+s9+$0x0] =	vst.idx.add.f32.msk $0xffff, v1  }
0x177: {  	v3 =	vld [tilespmem:$0xA30];
	_ =	sdelay $0x4  }
0x178: {  	v3 =	vadd.s32 v2, v3;
	_ =	sdelay $0x4  }
0x179: {  	[tilespmem:v3+s9+$0x0] =	vst.idx.add.f32.msk $0xffff, v1  }
0x17a: {  	v3 =	vld [tilespmem:$0xAB0];
	_ =	sdelay $0x4  }
0x17b: {  	v3 =	vadd.s32 v2, v3;
	_ =	sdelay $0x4  }
0x17c: {  	[tilespmem:v3+s9+$0x0] =	vst.idx.add.f32.msk $0xffff, v1  }
0x17d: {  	v3 =	vld [tilespmem:$0xB30];
	_ =	sdelay $0x4  }
0x17e: {  	v3 =	vadd.s32 v2, v3;
	_ =	sdelay $0x4  }
0x17f: {  	[tilespmem:v3+s9+$0x0] =	vst.idx.add.f32.msk $0xffff, v1  }
0x180: {  	v3 =	vld [tilespmem:$0xBB0];
	_ =	sdelay $0x4  }
0x181: {  	v3 =	vadd.s32 v2, v3;
	_ =	sdelay $0x4  }
0x182: {  	[tilespmem:v3+s9+$0x0] =	vst.idx.add.f32.msk $0xffff, v1  }
0x183: {  	v3 =	vld [tilespmem:$0xC30];
	_ =	sdelay $0x4  }
0x184: {  	v3 =	vadd.s32 v2, v3;
	_ =	sdelay $0x4  }
0x185: {  	[tilespmem:v3+s9+$0x0] =	vst.idx.add.f32.msk $0xffff, v1  }
0x186: {  	v3 =	vld [tilespmem:$0xCB0];
	_ =	sdelay $0x4  }
0x187: {  	v3 =	vadd.s32 v2, v3;
	_ =	sdelay $0x4  }
0x188: {  	[tilespmem:v3+s9+$0x0] =	vst.idx.add.f32.msk $0xffff, v1  }
0x189: {  	v3 =	vld [tilespmem:$0xD30];
	_ =	sdelay $0x4  }
0x18a: {  	v3 =	vadd.s32 v2, v3;
	_ =	sdelay $0x4  }
0x18b: {  	[tilespmem:v3+s9+$0x0] =	vst.idx.add.f32.msk $0xffff, v1  }
0x18c: {  	v3 =	vld [tilespmem:$0xDB0];
	_ =	sdelay $0x4  }
0x18d: {  	v3 =	vadd.s32 v2, v3;
	_ =	sdelay $0x4  }
0x18e: {  	[tilespmem:v3+s9+$0x0] =	vst.idx.add.f32.msk $0xffff, v1  }
0x18f: {  	v3 =	vld [tilespmem:$0xE30];
	_ =	sdelay $0x4  }
0x190: {  	v3 =	vadd.s32 v2, v3;
	_ =	sdelay $0x4  }
0x191: {  	[tilespmem:v3+s9+$0x0] =	vst.idx.add.f32.msk $0xffff, v1  }
0x192: {  	v3 =	vld [tilespmem:$0xEB0];
	_ =	sdelay $0x4  }
0x193: {  	v3 =	vadd.s32 v2, v3;
	_ =	sdelay $0x4  }
0x194: {  	[tilespmem:v3+s9+$0x0] =	vst.idx.add.f32.msk $0xffff, v1  }
0x195: {  	v3 =	vld [tilespmem:$0xF30];
	_ =	sdelay $0x4  }
0x196: {  	v3 =	vadd.s32 v2, v3;
	_ =	sdelay $0x4  }
0x197: {  	[tilespmem:v3+s9+$0x0] =	vst.idx.add.f32.msk $0xffff, v1  }
0x198: {  	v3 =	vld [tilespmem:$0xFB0];
	_ =	sdelay $0x4  }
0x199: {  	v3 =	vadd.s32 v2, v3;
	_ =	sdelay $0x3  }
0x19a: {  	p0 =	sne.s32 s7, $0x1  }
.Ltmp0:
0x19b: {  	[tilespmem:v3+s9+$0x0] =	vst.idx.add.f32.msk $0xffff, v1;
	(pc) =	sbr.rel @p0 .LBB2_1-.Ltmp0, $4  }
0x19c: {  	[hbm4b:s6+s3] =	stream.linear.scatter [tilespmem:s9], [sflag:$0x1], $0x10000, $0x38;
	[tilespmem:$0x11000] =	vst v63  }
0x19d: {  	_ =	swait.ge [sflag:s8], $0x10000  }
0x19e: {  	[sflag:s8] =	ssyncset.done $0x0  }
0x19f: {  	s7 =	sadd.s32 $0xFFFFFFFF, s7;
	[sflag:s8] =	ssyncadd.s32 $0xFFFF0000  }
0x1a0: {  	_ =	sfence.sel $0x180000  }
0x1a1: {  	[bflag:$0x0] =	sbarrier.arrive $0xFFFF  }
0x1a2: {  	p0 =	sne.s32 s1, $0x0;
	_ =	strace $0x90000047  }
0x1a3: {  	s0 =	sadd.s32 @!p0 $0x100000, s0;
	[bflag:$0x2] =	sbarrier.arrive $0xFFFF  }
0x1a4: {  	[sflag:s0] =	ssyncadd.tile.s32 @!p0 $0x1;
	_ =	shalt  }
.Lfunc_end2:
_tile_overlayer_lowered:
.L_overlay_start_2:
0x1a5: {  	(tag) =	ssettag $0x2  }
0x1a6: {  	s0 =	rddreg [dreg:$0x0];
	s2 =	stileid.u32  }
0x1a7: {  	s1 =	rddreg [dreg:$0x1];
	p0 =	sne.s32 s2, $0x0  }
0x1a8: {  	s3 =	rddreg [dreg:$0x2];
	[bflag:$0x3] =	sbarrier.arrive $0xFFFF;
	s2 =	simm.s32 @!p0 $0x1C01  }
0x1a9: {  	[timem:s3], [sflag:s2] =	dma.local @!p0 [hbm:s0], s1  }
0x1aa: {  	s0 =	simm.s32 @!p0 $0x1  }
0x1ab: {  	_ =	swait.ge @!p0 [sflag:s0], s1  }
0x1ac: {  	s1 =	ssub.s32 @!p0 $0x0, s1;
	[sflag:s0] =	ssyncset.done @!p0 $0x0  }
0x1ad: {  	[sflag:s0] =	ssyncadd.s32 @!p0 s1  }
0x1ae: {  	[bflag:$0x3] =	sbarrier.arrive $0xFFFF  }
0x1af: {  	_ =	shalt  }

</sc_bundles>
